<compile_context>
chip_gen: v7x
topology: tpu7x:2x2x1
jax: 0.10.2.dev20260603
libtpu: 0.0.44.dev20260713+nightly
codegen_flags: <defaults>
</compile_context>

<pallas_src>
import functools

import jax
import jax.numpy as jnp
from jax import lax
from jax.experimental import pallas as pl
from jax.experimental.pallas import tpu as pltpu
from jax.experimental.pallas import tpu_sc as plsc

_NC = 2
_NS = 16
_LANES = 128
_CR = 8
_BN = 1024


def _sc_mesh():
    return plsc.VectorSubcoreMesh(core_axis_name="c", subcore_axis_name="s",
                                  num_cores=_NC, num_subcores=_NS)


_SC_PARAMS = pltpu.CompilerParams(use_tc_tiling_on_sc=False)


def _round_up(v, m):
    return (v + m - 1) // m * m


def _make_deg(n_pad, e_rows):
    rows_per_tile = e_rows // (_NC * _NS)
    n_chunks = rows_per_tile // _CR
    npt = n_pad // _NS

    @functools.partial(
        pl.kernel,
        out_type=jax.ShapeDtypeStruct((_NC, n_pad), jnp.float32),
        mesh=_sc_mesh(),
        compiler_params=_SC_PARAMS,
        scratch_types=[
            pltpu.VMEM((_CR, _LANES), jnp.int32),
            pltpu.VMEM((_LANES,), jnp.float32),
            pltpu.VMEM((npt,), jnp.float32),
            pltpu.VMEM_SHARED((n_pad,), jnp.float32),
        ],
    )
    def deg_kernel(dst_hbm, ones_hbm, zeros_hbm, out_hbm,
                   didx_c, ones_v, stage_v, deg_sp):
        cid = lax.axis_index("c")
        sid = lax.axis_index("s")
        wid = cid * _NS + sid
        pltpu.sync_copy(ones_hbm, ones_v)
        pltpu.sync_copy(zeros_hbm.at[pl.ds(sid * npt, npt)], stage_v)
        pltpu.sync_copy(stage_v, deg_sp.at[pl.ds(sid * npt, npt)])
        plsc.subcore_barrier()

        base = wid * rows_per_tile

        def chunk(ch, carry):
            row0 = base + ch * _CR
            pltpu.sync_copy(dst_hbm.at[pl.ds(row0, _CR)], didx_c)
            for j in range(_CR):
                pltpu.sync_copy(ones_v, deg_sp.at[didx_c.at[j]], add=True)
            return carry

        lax.fori_loop(0, n_chunks, chunk, 0)
        plsc.subcore_barrier()
        pltpu.sync_copy(deg_sp.at[pl.ds(sid * npt, npt)], stage_v)
        pltpu.sync_copy(stage_v, out_hbm.at[cid, pl.ds(sid * npt, npt)])

    return deg_kernel


def _make_edge(n_pad, e_rows, d2):
    rows_per_tile = e_rows // (_NC * _NS)
    n_chunks = rows_per_tile // _CR
    npt = n_pad // _NS

    @functools.partial(
        pl.kernel,
        out_type=jax.ShapeDtypeStruct((_NC, n_pad, d2), jnp.float32),
        mesh=_sc_mesh(),
        compiler_params=_SC_PARAMS,
        scratch_types=[
            pltpu.VMEM((_CR, _LANES), jnp.int32),
            pltpu.VMEM((_CR, _LANES), jnp.int32),
            pltpu.VMEM((_CR * _LANES, d2), jnp.float32),
            pltpu.VMEM((npt, d2), jnp.float32),
            pltpu.VMEM_SHARED((n_pad, d2), jnp.float32),
            pltpu.VMEM_SHARED((n_pad, d2), jnp.float32),
        ],
    )
    def edge_kernel(src_hbm, dst_hbm, g_hbm, zeros_hbm, out_hbm,
                    sidx_c, didx_c, rows_v, stage_v, g_sp, acc_sp):
        cid = lax.axis_index("c")
        sid = lax.axis_index("s")
        wid = cid * _NS + sid
        sl = pl.ds(sid * npt, npt)
        pltpu.sync_copy(zeros_hbm.at[sl], stage_v)
        pltpu.sync_copy(stage_v, acc_sp.at[sl])
        pltpu.sync_copy(g_hbm.at[sl], stage_v)
        pltpu.sync_copy(stage_v, g_sp.at[sl])
        plsc.subcore_barrier()

        base = wid * rows_per_tile

        def chunk(ch, carry):
            row0 = base + ch * _CR
            pltpu.sync_copy(src_hbm.at[pl.ds(row0, _CR)], sidx_c)
            pltpu.sync_copy(dst_hbm.at[pl.ds(row0, _CR)], didx_c)
            for j in range(_CR):
                rsl = pl.ds(j * _LANES, _LANES)
                pltpu.sync_copy(g_sp.at[sidx_c.at[j]], rows_v.at[rsl])
                pltpu.sync_copy(rows_v.at[rsl], acc_sp.at[didx_c.at[j]],
                                add=True)
            return carry

        lax.fori_loop(0, n_chunks, chunk, 0)
        plsc.subcore_barrier()
        pltpu.sync_copy(acc_sp.at[sl], stage_v)
        pltpu.sync_copy(stage_v, out_hbm.at[cid, sl])

    return edge_kernel


def _make_mid(n, n_pad, d_in, d2):
    grid = n_pad // _BN

    def body(x_ref, w_ref, degp_ref, g_ref, dinv_ref):
        i = pl.program_id(0)
        deg = 1.0 + degp_ref[:, 0:1] + degp_ref[:, 1:2]
        r = lax.rsqrt(deg)
        h = jnp.dot(x_ref[...], w_ref[...],
                    preferred_element_type=jnp.float32)
        rows = i * _BN + lax.broadcasted_iota(jnp.int32, (_BN, 1), 0)
        g_ref[...] = jnp.where(rows < n, h * r, 0.0)
        dinv_ref[...] = r

    return pl.pallas_call(
        body,
        grid=(grid,),
        in_specs=[
            pl.BlockSpec((_BN, d_in), lambda i: (i, 0)),
            pl.BlockSpec((d_in, d2), lambda i: (0, 0)),
            pl.BlockSpec((_BN, 2), lambda i: (i, 0)),
        ],
        out_specs=[
            pl.BlockSpec((_BN, d2), lambda i: (i, 0)),
            pl.BlockSpec((_BN, 1), lambda i: (i, 0)),
        ],
        out_shape=[
            jax.ShapeDtypeStruct((n_pad, d2), jnp.float32),
            jax.ShapeDtypeStruct((n_pad, 1), jnp.float32),
        ],
    )


def _make_epilogue(n, n_pad, d_out, d2):
    grid = n_pad // _BN

    def body(s_ref, g_ref, dinv_ref, b_ref, mu_ref, ls_ref):
        t = dinv_ref[...] * (s_ref[0] + s_ref[1] + g_ref[...]) + b_ref[...]
        mu_ref[...] = t[:, :d_out]
        ls_ref[...] = t[:, d_out:2 * d_out]

    return pl.pallas_call(
        body,
        grid=(grid,),
        in_specs=[
            pl.BlockSpec((2, _BN, d2), lambda i: (0, i, 0)),
            pl.BlockSpec((_BN, d2), lambda i: (i, 0)),
            pl.BlockSpec((_BN, 1), lambda i: (i, 0)),
            pl.BlockSpec((1, d2), lambda i: (0, 0)),
        ],
        out_specs=[
            pl.BlockSpec((_BN, d_out), lambda i: (i, 0)),
            pl.BlockSpec((_BN, d_out), lambda i: (i, 0)),
        ],
        out_shape=[
            jax.ShapeDtypeStruct((n, d_out), jnp.float32),
            jax.ShapeDtypeStruct((n, d_out), jnp.float32),
        ],
    )


def kernel(x, edge_index, W_mu, b_mu, W_logstd, b_logstd):
    n, d_in = x.shape
    e = edge_index.shape[1]
    d_out = W_mu.shape[1]
    d2 = _round_up(2 * d_out, 16)

    n_pad = _round_up(n, _BN)
    e_pad = _round_up(e, _LANES * _NC * _NS * _CR)
    e_rows = e_pad // _LANES

    pad_e = e_pad - e
    pad_idx = n + (jnp.arange(pad_e, dtype=jnp.int32) % (n_pad - n))
    src2d = jnp.concatenate([edge_index[0], pad_idx]).reshape(e_rows, _LANES)
    dst2d = jnp.concatenate([edge_index[1], pad_idx]).reshape(e_rows, _LANES)

    pad_f = d2 - 2 * d_out
    w_cat = jnp.pad(jnp.concatenate([W_mu, W_logstd], axis=1),
                    ((0, 0), (0, pad_f)))
    b_cat = jnp.pad(jnp.concatenate([b_mu, b_logstd]), (0, pad_f)).reshape(1, d2)
    ones128 = jnp.ones((_LANES,), jnp.float32)
    z1 = jnp.zeros((n_pad,), jnp.float32)
    z2 = jnp.zeros((n_pad, d2), jnp.float32)

    degp = _make_deg(n_pad, e_rows)(dst2d, ones128, z1)
    g, dinv = _make_mid(n, n_pad, d_in, d2)(x, w_cat, degp.T)
    spart = _make_edge(n_pad, e_rows, d2)(src2d, dst2d, g, z2)
    mu, logstd = _make_epilogue(n, n_pad, d_out, d2)(spart, g, dinv, b_cat)
    return (mu, logstd)

# --- scband reference (transcript-rebuilt; emitter-appended) ---
"""Pipeline reference for scband-variational-linear-encoder-85907935854601 (READ-ONLY COPY).

The authoritative reference and input builder live on the scoring server;
editing this copy changes nothing except your own understanding.
"""

import jax, jax.numpy as jnp
import numpy as np

N = 10000
E = 320000
D_IN = 128
D_OUT = 10


def setup_inputs(seed: int = 0) -> dict:
    key = jax.random.key(seed)
    k1, k2, k3, k4, k5, k6 = jax.random.split(key, 6)
    x = jax.random.normal(k1, (N, D_IN), dtype=jnp.float32)
    edge_index = jax.random.randint(k2, (2, E), 0, N, dtype=jnp.int32)
    glorot = float(np.sqrt(2.0 / (D_IN + D_OUT)))
    W_mu = jax.random.normal(k3, (D_IN, D_OUT), dtype=jnp.float32) * glorot
    b_mu = jnp.zeros((D_OUT,), dtype=jnp.float32)
    W_logstd = jax.random.normal(k4, (D_IN, D_OUT), dtype=jnp.float32) * glorot
    b_logstd = jnp.zeros((D_OUT,), dtype=jnp.float32)
    return {"x": x, "edge_index": edge_index, "W_mu": W_mu, "b_mu": b_mu,
            "W_logstd": W_logstd, "b_logstd": b_logstd}


def _gcn_conv(x, edge_index, W, b):
    # PyG GCNConv: add self-loops, symmetric normalization, linear transform, scatter-add.
    n = x.shape[0]
    loop = jnp.arange(n, dtype=edge_index.dtype)
    src = jnp.concatenate([edge_index[0], loop])
    dst = jnp.concatenate([edge_index[1], loop])
    deg = jnp.zeros((n,), dtype=x.dtype).at[dst].add(1.0)
    dinv = 1.0 / jnp.sqrt(deg)  # deg >= 1 because of self-loops
    norm = dinv[src] * dinv[dst]
    h = x @ W
    msg = h[src] * norm[:, None]
    out = jnp.zeros((n, W.shape[1]), dtype=x.dtype).at[dst].add(msg)
    return out + b


def reference(x, edge_index, W_mu, b_mu, W_logstd, b_logstd):
    mu = _gcn_conv(x, edge_index, W_mu, b_mu)
    logstd = _gcn_conv(x, edge_index, W_logstd, b_logstd)
    return (mu, logstd)

if __name__ == "__main__":
    import jax
    _d = setup_inputs()
    print(jax.jit(kernel)(*tuple(_d.values())))

</pallas_src>

<mosaic_0001>
#map = affine_map<(d0, d1) -> (0, 0)>
#map1 = affine_map<(d0, d1) -> (0)>
module attributes {stable_mosaic.version = 14 : i64} {
  func.func @deg_kernel(%arg0: i32, %arg1: i32, %arg2: memref<2560x128xi32, #tpu.memory_space<hbm>>, %arg3: memref<128xf32, #tpu.memory_space<hbm>>, %arg4: memref<10240xf32, #tpu.memory_space<hbm>>, %arg5: memref<2x10240xf32, #tpu.memory_space<hbm>>, %arg6: memref<8x128xi32, #tpu.memory_space<vmem>>, %arg7: memref<128xf32, #tpu.memory_space<vmem>>, %arg8: memref<640xf32, #tpu.memory_space<vmem>>, %arg9: memref<10240xf32, #tpu.memory_space<vmem_shared>>) attributes {dimension_semantics = [#tpu.dimension_semantics<core_parallel>, #tpu.dimension_semantics<subcore_parallel>], iteration_bounds = array<i64: 2, 16>, scalar_prefetch = 0 : i64, scratch_operands = 4 : i64, tpu.core_type = #tpu.core_type<sc_vector_subcore>, window_params = [{transform_indices = #map}, {transform_indices = #map1}, {transform_indices = #map1}, {transform_indices = #map}]} {
    %mul3A = arith.constant 16 : i32
    %mul3A_0 = arith.muli %arg0, %mul3A : i32
    %add3A = arith.addi %mul3A_0, %arg1 : i32
    "tpu.region"() ({
      %run_scoped3A = tpu.sem_alloc : memref<!tpu.dma_semaphore, #tpu.memory_space<semaphore_mem>>
      tpu.enqueue_dma source(%arg3 : memref<128xf32, #tpu.memory_space<hbm>>) target(%arg7 : memref<128xf32, #tpu.memory_space<vmem>>) target_semaphore(%run_scoped3A : memref<!tpu.dma_semaphore, #tpu.memory_space<semaphore_mem>>)
      tpu.wait_dma2 semaphore(%run_scoped3A : memref<!tpu.dma_semaphore, #tpu.memory_space<semaphore_mem>>) src(%arg3 : memref<128xf32, #tpu.memory_space<hbm>>) dst(%arg7 : memref<128xf32, #tpu.memory_space<vmem>>)
      tpu.yield
    }) : () -> ()
    %mul3A_1 = arith.constant 640 : i32
    %mul3A_2 = arith.muli %arg1, %mul3A_1 : i32
    "tpu.region"() ({
      %run_scoped3A = tpu.sem_alloc : memref<!tpu.dma_semaphore, #tpu.memory_space<semaphore_mem>>
      %dma_start3A = tpu.memref_slice %arg4[%mul3A_2] : memref<10240xf32, #tpu.memory_space<hbm>> -> memref<640xf32, #tpu.memory_space<hbm>>
      %dma_start3A_17 = tpu.memref_slice %arg4[%mul3A_2] : memref<10240xf32, #tpu.memory_space<hbm>> -> memref<640xf32, #tpu.memory_space<hbm>>
      tpu.enqueue_dma source(%dma_start3A_17 : memref<640xf32, #tpu.memory_space<hbm>>) target(%arg8 : memref<640xf32, #tpu.memory_space<vmem>>) target_semaphore(%run_scoped3A : memref<!tpu.dma_semaphore, #tpu.memory_space<semaphore_mem>>)
      %dma_wait3A = tpu.memref_slice %arg4[%mul3A_2] : memref<10240xf32, #tpu.memory_space<hbm>> -> memref<640xf32, #tpu.memory_space<hbm>>
      %dma_wait3A_18 = tpu.memref_slice %arg4[%mul3A_2] : memref<10240xf32, #tpu.memory_space<hbm>> -> memref<640xf32, #tpu.memory_space<hbm>>
      tpu.wait_dma2 semaphore(%run_scoped3A : memref<!tpu.dma_semaphore, #tpu.memory_space<semaphore_mem>>) src(%dma_wait3A_18 : memref<640xf32, #tpu.memory_space<hbm>>) dst(%arg8 : memref<640xf32, #tpu.memory_space<vmem>>)
      tpu.yield
    }) : () -> ()
    %mul3A_3 = arith.constant 640 : i32
    %mul3A_4 = arith.muli %arg1, %mul3A_3 : i32
    "tpu.region"() ({
      %run_scoped3A = tpu.sem_alloc : memref<!tpu.dma_semaphore, #tpu.memory_space<semaphore_mem>>
      %dma_start3A = tpu.memref_slice %arg9[%mul3A_4] : memref<10240xf32, #tpu.memory_space<vmem_shared>> -> memref<640xf32, #tpu.memory_space<vmem_shared>>
      %dma_start3A_17 = tpu.memref_slice %arg9[%mul3A_4] : memref<10240xf32, #tpu.memory_space<vmem_shared>> -> memref<640xf32, #tpu.memory_space<vmem_shared>>
      tpu.enqueue_dma source(%arg8 : memref<640xf32, #tpu.memory_space<vmem>>) target(%dma_start3A_17 : memref<640xf32, #tpu.memory_space<vmem_shared>>) target_semaphore(%run_scoped3A : memref<!tpu.dma_semaphore, #tpu.memory_space<semaphore_mem>>)
      %dma_wait3A = tpu.memref_slice %arg9[%mul3A_4] : memref<10240xf32, #tpu.memory_space<vmem_shared>> -> memref<640xf32, #tpu.memory_space<vmem_shared>>
      %dma_wait3A_18 = tpu.memref_slice %arg9[%mul3A_4] : memref<10240xf32, #tpu.memory_space<vmem_shared>> -> memref<640xf32, #tpu.memory_space<vmem_shared>>
      tpu.wait_dma2 semaphore(%run_scoped3A : memref<!tpu.dma_semaphore, #tpu.memory_space<semaphore_mem>>) src(%arg8 : memref<640xf32, #tpu.memory_space<vmem>>) dst(%dma_wait3A_18 : memref<640xf32, #tpu.memory_space<vmem_shared>>)
      tpu.yield
    }) : () -> ()
    %barrier3A = arith.constant 0 : index
    tpu.barrier barrier_id(%barrier3A)
    %mul3A_5 = arith.constant 80 : i32
    %mul3A_6 = arith.muli %add3A, %mul3A_5 : i32
    %scan3A = arith.constant 0 : i32
    %scan3A_7 = arith.constant 0 : i32
    %scan3A_8 = arith.constant 10 : i32
    %scan3A_9 = arith.addi %scan3A_7, %scan3A_8 : i32
    %scan3A_10 = arith.constant 1 : i32
    scf.for %scan3A_17 = %scan3A_7 to %scan3A_9 step %scan3A_10  : i32 {
      %mul3A_18 = arith.constant 8 : i32
      %mul3A_19 = arith.muli %scan3A_17, %mul3A_18 : i32
      %add3A_20 = arith.addi %mul3A_6, %mul3A_19 : i32
      "tpu.region"() ({
        %run_scoped3A_28 = tpu.sem_alloc : memref<!tpu.dma_semaphore, #tpu.memory_space<semaphore_mem>>
        %dma_start3A = arith.constant 0 : i32
        %dma_start3A_29 = tpu.memref_slice %arg2[%add3A_20, %dma_start3A] : memref<2560x128xi32, #tpu.memory_space<hbm>> -> memref<8x128xi32, #tpu.memory_space<hbm>>
        %dma_start3A_30 = arith.constant 0 : i32
        %dma_start3A_31 = tpu.memref_slice %arg2[%add3A_20, %dma_start3A_30] : memref<2560x128xi32, #tpu.memory_space<hbm>> -> memref<8x128xi32, #tpu.memory_space<hbm>>
        tpu.enqueue_dma source(%dma_start3A_31 : memref<8x128xi32, #tpu.memory_space<hbm>>) target(%arg6 : memref<8x128xi32, #tpu.memory_space<vmem>>) target_semaphore(%run_scoped3A_28 : memref<!tpu.dma_semaphore, #tpu.memory_space<semaphore_mem>>)
        %dma_wait3A = arith.constant 0 : i32
        %dma_wait3A_32 = tpu.memref_slice %arg2[%add3A_20, %dma_wait3A] : memref<2560x128xi32, #tpu.memory_space<hbm>> -> memref<8x128xi32, #tpu.memory_space<hbm>>
        %dma_wait3A_33 = arith.constant 0 : i32
        %dma_wait3A_34 = tpu.memref_slice %arg2[%add3A_20, %dma_wait3A_33] : memref<2560x128xi32, #tpu.memory_space<hbm>> -> memref<8x128xi32, #tpu.memory_space<hbm>>
        tpu.wait_dma2 semaphore(%run_scoped3A_28 : memref<!tpu.dma_semaphore, #tpu.memory_space<semaphore_mem>>) src(%dma_wait3A_34 : memref<8x128xi32, #tpu.memory_space<hbm>>) dst(%arg6 : memref<8x128xi32, #tpu.memory_space<vmem>>)
        tpu.yield
      }) : () -> ()
      %run_scoped3A = arith.constant 0 : i32
      "tpu.region"() ({
        %run_scoped3A_28 = tpu.sem_alloc : memref<!tpu.dma_semaphore, #tpu.memory_space<semaphore_mem>>
        %dma_start3A = arith.constant 0 : i32
        %dma_start3A_29 = tpu.memref_slice %arg6[%run_scoped3A, %dma_start3A] : memref<8x128xi32, #tpu.memory_space<vmem>> -> memref<1x128xi32, #tpu.memory_space<vmem>>
        %dma_start3A_30 = tpu.memref_squeeze %dma_start3A_29 : memref<1x128xi32, #tpu.memory_space<vmem>> -> memref<128xi32, #tpu.memory_space<vmem>>
        %dma_start3A_31 = arith.constant 0 : i32
        %dma_start3A_32 = tpu.memref_slice %arg9[%dma_start3A_31] : memref<10240xf32, #tpu.memory_space<vmem_shared>> -> memref<10240xf32, #tpu.memory_space<vmem_shared>>
        tpu.enqueue_indirect_dma source(%arg7 : memref<128xf32, #tpu.memory_space<vmem>>) target(%dma_start3A_32 : memref<10240xf32, #tpu.memory_space<vmem_shared>>) offsets(%dma_start3A_30 : memref<128xi32, #tpu.memory_space<vmem>>) semaphore(%run_scoped3A_28 : memref<!tpu.dma_semaphore, #tpu.memory_space<semaphore_mem>>) {add = true}
        %dma_wait3A = arith.constant 0 : i32
        %dma_wait3A_33 = tpu.memref_slice %arg6[%run_scoped3A, %dma_wait3A] : memref<8x128xi32, #tpu.memory_space<vmem>> -> memref<1x128xi32, #tpu.memory_space<vmem>>
        %dma_wait3A_34 = tpu.memref_squeeze %dma_wait3A_33 : memref<1x128xi32, #tpu.memory_space<vmem>> -> memref<128xi32, #tpu.memory_space<vmem>>
        %dma_wait3A_35 = arith.constant 0 : i32
        %dma_wait3A_36 = tpu.memref_slice %arg9[%dma_wait3A_35] : memref<10240xf32, #tpu.memory_space<vmem_shared>> -> memref<10240xf32, #tpu.memory_space<vmem_shared>>
        tpu.wait_indirect_dma semaphore(%run_scoped3A_28 : memref<!tpu.dma_semaphore, #tpu.memory_space<semaphore_mem>>) src(%arg7 : memref<128xf32, #tpu.memory_space<vmem>>) dst(%dma_wait3A_36 : memref<10240xf32, #tpu.memory_space<vmem_shared>>)
        tpu.yield
      }) : () -> ()
      %run_scoped3A_21 = arith.constant 1 : i32
      "tpu.region"() ({
        %run_scoped3A_28 = tpu.sem_alloc : memref<!tpu.dma_semaphore, #tpu.memory_space<semaphore_mem>>
        %dma_start3A = arith.constant 0 : i32
        %dma_start3A_29 = tpu.memref_slice %arg6[%run_scoped3A_21, %dma_start3A] : memref<8x128xi32, #tpu.memory_space<vmem>> -> memref<1x128xi32, #tpu.memory_space<vmem>>
        %dma_start3A_30 = tpu.memref_squeeze %dma_start3A_29 : memref<1x128xi32, #tpu.memory_space<vmem>> -> memref<128xi32, #tpu.memory_space<vmem>>
        %dma_start3A_31 = arith.constant 0 : i32
        %dma_start3A_32 = tpu.memref_slice %arg9[%dma_start3A_31] : memref<10240xf32, #tpu.memory_space<vmem_shared>> -> memref<10240xf32, #tpu.memory_space<vmem_shared>>
        tpu.enqueue_indirect_dma source(%arg7 : memref<128xf32, #tpu.memory_space<vmem>>) target(%dma_start3A_32 : memref<10240xf32, #tpu.memory_space<vmem_shared>>) offsets(%dma_start3A_30 : memref<128xi32, #tpu.memory_space<vmem>>) semaphore(%run_scoped3A_28 : memref<!tpu.dma_semaphore, #tpu.memory_space<semaphore_mem>>) {add = true}
        %dma_wait3A = arith.constant 0 : i32
        %dma_wait3A_33 = tpu.memref_slice %arg6[%run_scoped3A_21, %dma_wait3A] : memref<8x128xi32, #tpu.memory_space<vmem>> -> memref<1x128xi32, #tpu.memory_space<vmem>>
        %dma_wait3A_34 = tpu.memref_squeeze %dma_wait3A_33 : memref<1x128xi32, #tpu.memory_space<vmem>> -> memref<128xi32, #tpu.memory_space<vmem>>
        %dma_wait3A_35 = arith.constant 0 : i32
        %dma_wait3A_36 = tpu.memref_slice %arg9[%dma_wait3A_35] : memref<10240xf32, #tpu.memory_space<vmem_shared>> -> memref<10240xf32, #tpu.memory_space<vmem_shared>>
        tpu.wait_indirect_dma semaphore(%run_scoped3A_28 : memref<!tpu.dma_semaphore, #tpu.memory_space<semaphore_mem>>) src(%arg7 : memref<128xf32, #tpu.memory_space<vmem>>) dst(%dma_wait3A_36 : memref<10240xf32, #tpu.memory_space<vmem_shared>>)
        tpu.yield
      }) : () -> ()
      %run_scoped3A_22 = arith.constant 2 : i32
      "tpu.region"() ({
        %run_scoped3A_28 = tpu.sem_alloc : memref<!tpu.dma_semaphore, #tpu.memory_space<semaphore_mem>>
        %dma_start3A = arith.constant 0 : i32
        %dma_start3A_29 = tpu.memref_slice %arg6[%run_scoped3A_22, %dma_start3A] : memref<8x128xi32, #tpu.memory_space<vmem>> -> memref<1x128xi32, #tpu.memory_space<vmem>>
        %dma_start3A_30 = tpu.memref_squeeze %dma_start3A_29 : memref<1x128xi32, #tpu.memory_space<vmem>> -> memref<128xi32, #tpu.memory_space<vmem>>
        %dma_start3A_31 = arith.constant 0 : i32
        %dma_start3A_32 = tpu.memref_slice %arg9[%dma_start3A_31] : memref<10240xf32, #tpu.memory_space<vmem_shared>> -> memref<10240xf32, #tpu.memory_space<vmem_shared>>
        tpu.enqueue_indirect_dma source(%arg7 : memref<128xf32, #tpu.memory_space<vmem>>) target(%dma_start3A_32 : memref<10240xf32, #tpu.memory_space<vmem_shared>>) offsets(%dma_start3A_30 : memref<128xi32, #tpu.memory_space<vmem>>) semaphore(%run_scoped3A_28 : memref<!tpu.dma_semaphore, #tpu.memory_space<semaphore_mem>>) {add = true}
        %dma_wait3A = arith.constant 0 : i32
        %dma_wait3A_33 = tpu.memref_slice %arg6[%run_scoped3A_22, %dma_wait3A] : memref<8x128xi32, #tpu.memory_space<vmem>> -> memref<1x128xi32, #tpu.memory_space<vmem>>
        %dma_wait3A_34 = tpu.memref_squeeze %dma_wait3A_33 : memref<1x128xi32, #tpu.memory_space<vmem>> -> memref<128xi32, #tpu.memory_space<vmem>>
        %dma_wait3A_35 = arith.constant 0 : i32
        %dma_wait3A_36 = tpu.memref_slice %arg9[%dma_wait3A_35] : memref<10240xf32, #tpu.memory_space<vmem_shared>> -> memref<10240xf32, #tpu.memory_space<vmem_shared>>
        tpu.wait_indirect_dma semaphore(%run_scoped3A_28 : memref<!tpu.dma_semaphore, #tpu.memory_space<semaphore_mem>>) src(%arg7 : memref<128xf32, #tpu.memory_space<vmem>>) dst(%dma_wait3A_36 : memref<10240xf32, #tpu.memory_space<vmem_shared>>)
        tpu.yield
      }) : () -> ()
      %run_scoped3A_23 = arith.constant 3 : i32
      "tpu.region"() ({
        %run_scoped3A_28 = tpu.sem_alloc : memref<!tpu.dma_semaphore, #tpu.memory_space<semaphore_mem>>
        %dma_start3A = arith.constant 0 : i32
        %dma_start3A_29 = tpu.memref_slice %arg6[%run_scoped3A_23, %dma_start3A] : memref<8x128xi32, #tpu.memory_space<vmem>> -> memref<1x128xi32, #tpu.memory_space<vmem>>
        %dma_start3A_30 = tpu.memref_squeeze %dma_start3A_29 : memref<1x128xi32, #tpu.memory_space<vmem>> -> memref<128xi32, #tpu.memory_space<vmem>>
        %dma_start3A_31 = arith.constant 0 : i32
        %dma_start3A_32 = tpu.memref_slice %arg9[%dma_start3A_31] : memref<10240xf32, #tpu.memory_space<vmem_shared>> -> memref<10240xf32, #tpu.memory_space<vmem_shared>>
        tpu.enqueue_indirect_dma source(%arg7 : memref<128xf32, #tpu.memory_space<vmem>>) target(%dma_start3A_32 : memref<10240xf32, #tpu.memory_space<vmem_shared>>) offsets(%dma_start3A_30 : memref<128xi32, #tpu.memory_space<vmem>>) semaphore(%run_scoped3A_28 : memref<!tpu.dma_semaphore, #tpu.memory_space<semaphore_mem>>) {add = true}
        %dma_wait3A = arith.constant 0 : i32
        %dma_wait3A_33 = tpu.memref_slice %arg6[%run_scoped3A_23, %dma_wait3A] : memref<8x128xi32, #tpu.memory_space<vmem>> -> memref<1x128xi32, #tpu.memory_space<vmem>>
        %dma_wait3A_34 = tpu.memref_squeeze %dma_wait3A_33 : memref<1x128xi32, #tpu.memory_space<vmem>> -> memref<128xi32, #tpu.memory_space<vmem>>
        %dma_wait3A_35 = arith.constant 0 : i32
        %dma_wait3A_36 = tpu.memref_slice %arg9[%dma_wait3A_35] : memref<10240xf32, #tpu.memory_space<vmem_shared>> -> memref<10240xf32, #tpu.memory_space<vmem_shared>>
        tpu.wait_indirect_dma semaphore(%run_scoped3A_28 : memref<!tpu.dma_semaphore, #tpu.memory_space<semaphore_mem>>) src(%arg7 : memref<128xf32, #tpu.memory_space<vmem>>) dst(%dma_wait3A_36 : memref<10240xf32, #tpu.memory_space<vmem_shared>>)
        tpu.yield
      }) : () -> ()
      %run_scoped3A_24 = arith.constant 4 : i32
      "tpu.region"() ({
        %run_scoped3A_28 = tpu.sem_alloc : memref<!tpu.dma_semaphore, #tpu.memory_space<semaphore_mem>>
        %dma_start3A = arith.constant 0 : i32
        %dma_start3A_29 = tpu.memref_slice %arg6[%run_scoped3A_24, %dma_start3A] : memref<8x128xi32, #tpu.memory_space<vmem>> -> memref<1x128xi32, #tpu.memory_space<vmem>>
        %dma_start3A_30 = tpu.memref_squeeze %dma_start3A_29 : memref<1x128xi32, #tpu.memory_space<vmem>> -> memref<128xi32, #tpu.memory_space<vmem>>
        %dma_start3A_31 = arith.constant 0 : i32
        %dma_start3A_32 = tpu.memref_slice %arg9[%dma_start3A_31] : memref<10240xf32, #tpu.memory_space<vmem_shared>> -> memref<10240xf32, #tpu.memory_space<vmem_shared>>
        tpu.enqueue_indirect_dma source(%arg7 : memref<128xf32, #tpu.memory_space<vmem>>) target(%dma_start3A_32 : memref<10240xf32, #tpu.memory_space<vmem_shared>>) offsets(%dma_start3A_30 : memref<128xi32, #tpu.memory_space<vmem>>) semaphore(%run_scoped3A_28 : memref<!tpu.dma_semaphore, #tpu.memory_space<semaphore_mem>>) {add = true}
        %dma_wait3A = arith.constant 0 : i32
        %dma_wait3A_33 = tpu.memref_slice %arg6[%run_scoped3A_24, %dma_wait3A] : memref<8x128xi32, #tpu.memory_space<vmem>> -> memref<1x128xi32, #tpu.memory_space<vmem>>
        %dma_wait3A_34 = tpu.memref_squeeze %dma_wait3A_33 : memref<1x128xi32, #tpu.memory_space<vmem>> -> memref<128xi32, #tpu.memory_space<vmem>>
        %dma_wait3A_35 = arith.constant 0 : i32
        %dma_wait3A_36 = tpu.memref_slice %arg9[%dma_wait3A_35] : memref<10240xf32, #tpu.memory_space<vmem_shared>> -> memref<10240xf32, #tpu.memory_space<vmem_shared>>
        tpu.wait_indirect_dma semaphore(%run_scoped3A_28 : memref<!tpu.dma_semaphore, #tpu.memory_space<semaphore_mem>>) src(%arg7 : memref<128xf32, #tpu.memory_space<vmem>>) dst(%dma_wait3A_36 : memref<10240xf32, #tpu.memory_space<vmem_shared>>)
        tpu.yield
      }) : () -> ()
      %run_scoped3A_25 = arith.constant 5 : i32
      "tpu.region"() ({
        %run_scoped3A_28 = tpu.sem_alloc : memref<!tpu.dma_semaphore, #tpu.memory_space<semaphore_mem>>
        %dma_start3A = arith.constant 0 : i32
        %dma_start3A_29 = tpu.memref_slice %arg6[%run_scoped3A_25, %dma_start3A] : memref<8x128xi32, #tpu.memory_space<vmem>> -> memref<1x128xi32, #tpu.memory_space<vmem>>
        %dma_start3A_30 = tpu.memref_squeeze %dma_start3A_29 : memref<1x128xi32, #tpu.memory_space<vmem>> -> memref<128xi32, #tpu.memory_space<vmem>>
        %dma_start3A_31 = arith.constant 0 : i32
        %dma_start3A_32 = tpu.memref_slice %arg9[%dma_start3A_31] : memref<10240xf32, #tpu.memory_space<vmem_shared>> -> memref<10240xf32, #tpu.memory_space<vmem_shared>>
        tpu.enqueue_indirect_dma source(%arg7 : memref<128xf32, #tpu.memory_space<vmem>>) target(%dma_start3A_32 : memref<10240xf32, #tpu.memory_space<vmem_shared>>) offsets(%dma_start3A_30 : memref<128xi32, #tpu.memory_space<vmem>>) semaphore(%run_scoped3A_28 : memref<!tpu.dma_semaphore, #tpu.memory_space<semaphore_mem>>) {add = true}
        %dma_wait3A = arith.constant 0 : i32
        %dma_wait3A_33 = tpu.memref_slice %arg6[%run_scoped3A_25, %dma_wait3A] : memref<8x128xi32, #tpu.memory_space<vmem>> -> memref<1x128xi32, #tpu.memory_space<vmem>>
        %dma_wait3A_34 = tpu.memref_squeeze %dma_wait3A_33 : memref<1x128xi32, #tpu.memory_space<vmem>> -> memref<128xi32, #tpu.memory_space<vmem>>
        %dma_wait3A_35 = arith.constant 0 : i32
        %dma_wait3A_36 = tpu.memref_slice %arg9[%dma_wait3A_35] : memref<10240xf32, #tpu.memory_space<vmem_shared>> -> memref<10240xf32, #tpu.memory_space<vmem_shared>>
        tpu.wait_indirect_dma semaphore(%run_scoped3A_28 : memref<!tpu.dma_semaphore, #tpu.memory_space<semaphore_mem>>) src(%arg7 : memref<128xf32, #tpu.memory_space<vmem>>) dst(%dma_wait3A_36 : memref<10240xf32, #tpu.memory_space<vmem_shared>>)
        tpu.yield
      }) : () -> ()
      %run_scoped3A_26 = arith.constant 6 : i32
      "tpu.region"() ({
        %run_scoped3A_28 = tpu.sem_alloc : memref<!tpu.dma_semaphore, #tpu.memory_space<semaphore_mem>>
        %dma_start3A = arith.constant 0 : i32
        %dma_start3A_29 = tpu.memref_slice %arg6[%run_scoped3A_26, %dma_start3A] : memref<8x128xi32, #tpu.memory_space<vmem>> -> memref<1x128xi32, #tpu.memory_space<vmem>>
        %dma_start3A_30 = tpu.memref_squeeze %dma_start3A_29 : memref<1x128xi32, #tpu.memory_space<vmem>> -> memref<128xi32, #tpu.memory_space<vmem>>
        %dma_start3A_31 = arith.constant 0 : i32
        %dma_start3A_32 = tpu.memref_slice %arg9[%dma_start3A_31] : memref<10240xf32, #tpu.memory_space<vmem_shared>> -> memref<10240xf32, #tpu.memory_space<vmem_shared>>
        tpu.enqueue_indirect_dma source(%arg7 : memref<128xf32, #tpu.memory_space<vmem>>) target(%dma_start3A_32 : memref<10240xf32, #tpu.memory_space<vmem_shared>>) offsets(%dma_start3A_30 : memref<128xi32, #tpu.memory_space<vmem>>) semaphore(%run_scoped3A_28 : memref<!tpu.dma_semaphore, #tpu.memory_space<semaphore_mem>>) {add = true}
        %dma_wait3A = arith.constant 0 : i32
        %dma_wait3A_33 = tpu.memref_slice %arg6[%run_scoped3A_26, %dma_wait3A] : memref<8x128xi32, #tpu.memory_space<vmem>> -> memref<1x128xi32, #tpu.memory_space<vmem>>
        %dma_wait3A_34 = tpu.memref_squeeze %dma_wait3A_33 : memref<1x128xi32, #tpu.memory_space<vmem>> -> memref<128xi32, #tpu.memory_space<vmem>>
        %dma_wait3A_35 = arith.constant 0 : i32
        %dma_wait3A_36 = tpu.memref_slice %arg9[%dma_wait3A_35] : memref<10240xf32, #tpu.memory_space<vmem_shared>> -> memref<10240xf32, #tpu.memory_space<vmem_shared>>
        tpu.wait_indirect_dma semaphore(%run_scoped3A_28 : memref<!tpu.dma_semaphore, #tpu.memory_space<semaphore_mem>>) src(%arg7 : memref<128xf32, #tpu.memory_space<vmem>>) dst(%dma_wait3A_36 : memref<10240xf32, #tpu.memory_space<vmem_shared>>)
        tpu.yield
      }) : () -> ()
      %run_scoped3A_27 = arith.constant 7 : i32
      "tpu.region"() ({
        %run_scoped3A_28 = tpu.sem_alloc : memref<!tpu.dma_semaphore, #tpu.memory_space<semaphore_mem>>
        %dma_start3A = arith.constant 0 : i32
        %dma_start3A_29 = tpu.memref_slice %arg6[%run_scoped3A_27, %dma_start3A] : memref<8x128xi32, #tpu.memory_space<vmem>> -> memref<1x128xi32, #tpu.memory_space<vmem>>
        %dma_start3A_30 = tpu.memref_squeeze %dma_start3A_29 : memref<1x128xi32, #tpu.memory_space<vmem>> -> memref<128xi32, #tpu.memory_space<vmem>>
        %dma_start3A_31 = arith.constant 0 : i32
        %dma_start3A_32 = tpu.memref_slice %arg9[%dma_start3A_31] : memref<10240xf32, #tpu.memory_space<vmem_shared>> -> memref<10240xf32, #tpu.memory_space<vmem_shared>>
        tpu.enqueue_indirect_dma source(%arg7 : memref<128xf32, #tpu.memory_space<vmem>>) target(%dma_start3A_32 : memref<10240xf32, #tpu.memory_space<vmem_shared>>) offsets(%dma_start3A_30 : memref<128xi32, #tpu.memory_space<vmem>>) semaphore(%run_scoped3A_28 : memref<!tpu.dma_semaphore, #tpu.memory_space<semaphore_mem>>) {add = true}
        %dma_wait3A = arith.constant 0 : i32
        %dma_wait3A_33 = tpu.memref_slice %arg6[%run_scoped3A_27, %dma_wait3A] : memref<8x128xi32, #tpu.memory_space<vmem>> -> memref<1x128xi32, #tpu.memory_space<vmem>>
        %dma_wait3A_34 = tpu.memref_squeeze %dma_wait3A_33 : memref<1x128xi32, #tpu.memory_space<vmem>> -> memref<128xi32, #tpu.memory_space<vmem>>
        %dma_wait3A_35 = arith.constant 0 : i32
        %dma_wait3A_36 = tpu.memref_slice %arg9[%dma_wait3A_35] : memref<10240xf32, #tpu.memory_space<vmem_shared>> -> memref<10240xf32, #tpu.memory_space<vmem_shared>>
        tpu.wait_indirect_dma semaphore(%run_scoped3A_28 : memref<!tpu.dma_semaphore, #tpu.memory_space<semaphore_mem>>) src(%arg7 : memref<128xf32, #tpu.memory_space<vmem>>) dst(%dma_wait3A_36 : memref<10240xf32, #tpu.memory_space<vmem_shared>>)
        tpu.yield
      }) : () -> ()
    }
    %scan3A_11 = arith.constant 10 : i32
    %barrier3A_12 = arith.constant 0 : index
    tpu.barrier barrier_id(%barrier3A_12)
    %mul3A_13 = arith.constant 640 : i32
    %mul3A_14 = arith.muli %arg1, %mul3A_13 : i32
    "tpu.region"() ({
      %run_scoped3A = tpu.sem_alloc : memref<!tpu.dma_semaphore, #tpu.memory_space<semaphore_mem>>
      %dma_start3A = tpu.memref_slice %arg9[%mul3A_14] : memref<10240xf32, #tpu.memory_space<vmem_shared>> -> memref<640xf32, #tpu.memory_space<vmem_shared>>
      %dma_start3A_17 = tpu.memref_slice %arg9[%mul3A_14] : memref<10240xf32, #tpu.memory_space<vmem_shared>> -> memref<640xf32, #tpu.memory_space<vmem_shared>>
      tpu.enqueue_dma source(%dma_start3A_17 : memref<640xf32, #tpu.memory_space<vmem_shared>>) target(%arg8 : memref<640xf32, #tpu.memory_space<vmem>>) target_semaphore(%run_scoped3A : memref<!tpu.dma_semaphore, #tpu.memory_space<semaphore_mem>>)
      %dma_wait3A = tpu.memref_slice %arg9[%mul3A_14] : memref<10240xf32, #tpu.memory_space<vmem_shared>> -> memref<640xf32, #tpu.memory_space<vmem_shared>>
      %dma_wait3A_18 = tpu.memref_slice %arg9[%mul3A_14] : memref<10240xf32, #tpu.memory_space<vmem_shared>> -> memref<640xf32, #tpu.memory_space<vmem_shared>>
      tpu.wait_dma2 semaphore(%run_scoped3A : memref<!tpu.dma_semaphore, #tpu.memory_space<semaphore_mem>>) src(%dma_wait3A_18 : memref<640xf32, #tpu.memory_space<vmem_shared>>) dst(%arg8 : memref<640xf32, #tpu.memory_space<vmem>>)
      tpu.yield
    }) : () -> ()
    %mul3A_15 = arith.constant 640 : i32
    %mul3A_16 = arith.muli %arg1, %mul3A_15 : i32
    "tpu.region"() ({
      %run_scoped3A = tpu.sem_alloc : memref<!tpu.dma_semaphore, #tpu.memory_space<semaphore_mem>>
      %dma_start3A = tpu.memref_slice %arg5[%arg0, %mul3A_16] : memref<2x10240xf32, #tpu.memory_space<hbm>> -> memref<1x640xf32, #tpu.memory_space<hbm>>
      %dma_start3A_17 = tpu.memref_squeeze %dma_start3A : memref<1x640xf32, #tpu.memory_space<hbm>> -> memref<640xf32, #tpu.memory_space<hbm>>
      %dma_start3A_18 = tpu.memref_slice %arg5[%arg0, %mul3A_16] : memref<2x10240xf32, #tpu.memory_space<hbm>> -> memref<1x640xf32, #tpu.memory_space<hbm>>
      %dma_start3A_19 = tpu.memref_squeeze %dma_start3A_18 : memref<1x640xf32, #tpu.memory_space<hbm>> -> memref<640xf32, #tpu.memory_space<hbm>>
      tpu.enqueue_dma source(%arg8 : memref<640xf32, #tpu.memory_space<vmem>>) target(%dma_start3A_19 : memref<640xf32, #tpu.memory_space<hbm>>) target_semaphore(%run_scoped3A : memref<!tpu.dma_semaphore, #tpu.memory_space<semaphore_mem>>)
      %dma_wait3A = tpu.memref_slice %arg5[%arg0, %mul3A_16] : memref<2x10240xf32, #tpu.memory_space<hbm>> -> memref<1x640xf32, #tpu.memory_space<hbm>>
      %dma_wait3A_20 = tpu.memref_squeeze %dma_wait3A : memref<1x640xf32, #tpu.memory_space<hbm>> -> memref<640xf32, #tpu.memory_space<hbm>>
      %dma_wait3A_21 = tpu.memref_slice %arg5[%arg0, %mul3A_16] : memref<2x10240xf32, #tpu.memory_space<hbm>> -> memref<1x640xf32, #tpu.memory_space<hbm>>
      %dma_wait3A_22 = tpu.memref_squeeze %dma_wait3A_21 : memref<1x640xf32, #tpu.memory_space<hbm>> -> memref<640xf32, #tpu.memory_space<hbm>>
      tpu.wait_dma2 semaphore(%run_scoped3A : memref<!tpu.dma_semaphore, #tpu.memory_space<semaphore_mem>>) src(%arg8 : memref<640xf32, #tpu.memory_space<vmem>>) dst(%dma_wait3A_22 : memref<640xf32, #tpu.memory_space<hbm>>)
      tpu.yield
    }) : () -> ()
    return
  }
}

#map = affine_map<(d0, d1) -> (0, 0)>
#map1 = affine_map<(d0, d1) -> (0, 0, 0)>
module attributes {stable_mosaic.version = 14 : i64} {
  func.func @edge_kernel(%arg0: i32, %arg1: i32, %arg2: memref<2560x128xi32, #tpu.memory_space<hbm>>, %arg3: memref<2560x128xi32, #tpu.memory_space<hbm>>, %arg4: memref<10240x32xf32, #tpu.memory_space<hbm>>, %arg5: memref<10240x32xf32, #tpu.memory_space<hbm>>, %arg6: memref<2x10240x32xf32, #tpu.memory_space<hbm>>, %arg7: memref<8x128xi32, #tpu.memory_space<vmem>>, %arg8: memref<8x128xi32, #tpu.memory_space<vmem>>, %arg9: memref<1024x32xf32, #tpu.memory_space<vmem>>, %arg10: memref<640x32xf32, #tpu.memory_space<vmem>>, %arg11: memref<10240x32xf32, #tpu.memory_space<vmem_shared>>, %arg12: memref<10240x32xf32, #tpu.memory_space<vmem_shared>>) attributes {dimension_semantics = [#tpu.dimension_semantics<core_parallel>, #tpu.dimension_semantics<subcore_parallel>], iteration_bounds = array<i64: 2, 16>, scalar_prefetch = 0 : i64, scratch_operands = 6 : i64, tpu.core_type = #tpu.core_type<sc_vector_subcore>, window_params = [{transform_indices = #map}, {transform_indices = #map}, {transform_indices = #map}, {transform_indices = #map}, {transform_indices = #map1}]} {
    %mul3A = arith.constant 16 : i32
    %mul3A_0 = arith.muli %arg0, %mul3A : i32
    %add3A = arith.addi %mul3A_0, %arg1 : i32
    %mul3A_1 = arith.constant 640 : i32
    %mul3A_2 = arith.muli %arg1, %mul3A_1 : i32
    "tpu.region"() ({
      %run_scoped3A = tpu.sem_alloc : memref<!tpu.dma_semaphore, #tpu.memory_space<semaphore_mem>>
      %dma_start3A = arith.constant 0 : i32
      %dma_start3A_11 = tpu.memref_slice %arg5[%mul3A_2, %dma_start3A] : memref<10240x32xf32, #tpu.memory_space<hbm>> -> memref<640x32xf32, #tpu.memory_space<hbm>>
      %dma_start3A_12 = arith.constant 0 : i32
      %dma_start3A_13 = tpu.memref_slice %arg5[%mul3A_2, %dma_start3A_12] : memref<10240x32xf32, #tpu.memory_space<hbm>> -> memref<640x32xf32, #tpu.memory_space<hbm>>
      tpu.enqueue_dma source(%dma_start3A_13 : memref<640x32xf32, #tpu.memory_space<hbm>>) target(%arg10 : memref<640x32xf32, #tpu.memory_space<vmem>>) target_semaphore(%run_scoped3A : memref<!tpu.dma_semaphore, #tpu.memory_space<semaphore_mem>>)
      %dma_wait3A = arith.constant 0 : i32
      %dma_wait3A_14 = tpu.memref_slice %arg5[%mul3A_2, %dma_wait3A] : memref<10240x32xf32, #tpu.memory_space<hbm>> -> memref<640x32xf32, #tpu.memory_space<hbm>>
      %dma_wait3A_15 = arith.constant 0 : i32
      %dma_wait3A_16 = tpu.memref_slice %arg5[%mul3A_2, %dma_wait3A_15] : memref<10240x32xf32, #tpu.memory_space<hbm>> -> memref<640x32xf32, #tpu.memory_space<hbm>>
      tpu.wait_dma2 semaphore(%run_scoped3A : memref<!tpu.dma_semaphore, #tpu.memory_space<semaphore_mem>>) src(%dma_wait3A_16 : memref<640x32xf32, #tpu.memory_space<hbm>>) dst(%arg10 : memref<640x32xf32, #tpu.memory_space<vmem>>)
      tpu.yield
    }) : () -> ()
    "tpu.region"() ({
      %run_scoped3A = tpu.sem_alloc : memref<!tpu.dma_semaphore, #tpu.memory_space<semaphore_mem>>
      %dma_start3A = arith.constant 0 : i32
      %dma_start3A_11 = tpu.memref_slice %arg12[%mul3A_2, %dma_start3A] : memref<10240x32xf32, #tpu.memory_space<vmem_shared>> -> memref<640x32xf32, #tpu.memory_space<vmem_shared>>
      %dma_start3A_12 = arith.constant 0 : i32
      %dma_start3A_13 = tpu.memref_slice %arg12[%mul3A_2, %dma_start3A_12] : memref<10240x32xf32, #tpu.memory_space<vmem_shared>> -> memref<640x32xf32, #tpu.memory_space<vmem_shared>>
      tpu.enqueue_dma source(%arg10 : memref<640x32xf32, #tpu.memory_space<vmem>>) target(%dma_start3A_13 : memref<640x32xf32, #tpu.memory_space<vmem_shared>>) target_semaphore(%run_scoped3A : memref<!tpu.dma_semaphore, #tpu.memory_space<semaphore_mem>>)
      %dma_wait3A = arith.constant 0 : i32
      %dma_wait3A_14 = tpu.memref_slice %arg12[%mul3A_2, %dma_wait3A] : memref<10240x32xf32, #tpu.memory_space<vmem_shared>> -> memref<640x32xf32, #tpu.memory_space<vmem_shared>>
      %dma_wait3A_15 = arith.constant 0 : i32
      %dma_wait3A_16 = tpu.memref_slice %arg12[%mul3A_2, %dma_wait3A_15] : memref<10240x32xf32, #tpu.memory_space<vmem_shared>> -> memref<640x32xf32, #tpu.memory_space<vmem_shared>>
      tpu.wait_dma2 semaphore(%run_scoped3A : memref<!tpu.dma_semaphore, #tpu.memory_space<semaphore_mem>>) src(%arg10 : memref<640x32xf32, #tpu.memory_space<vmem>>) dst(%dma_wait3A_16 : memref<640x32xf32, #tpu.memory_space<vmem_shared>>)
      tpu.yield
    }) : () -> ()
    "tpu.region"() ({
      %run_scoped3A = tpu.sem_alloc : memref<!tpu.dma_semaphore, #tpu.memory_space<semaphore_mem>>
      %dma_start3A = arith.constant 0 : i32
      %dma_start3A_11 = tpu.memref_slice %arg4[%mul3A_2, %dma_start3A] : memref<10240x32xf32, #tpu.memory_space<hbm>> -> memref<640x32xf32, #tpu.memory_space<hbm>>
      %dma_start3A_12 = arith.constant 0 : i32
      %dma_start3A_13 = tpu.memref_slice %arg4[%mul3A_2, %dma_start3A_12] : memref<10240x32xf32, #tpu.memory_space<hbm>> -> memref<640x32xf32, #tpu.memory_space<hbm>>
      tpu.enqueue_dma source(%dma_start3A_13 : memref<640x32xf32, #tpu.memory_space<hbm>>) target(%arg10 : memref<640x32xf32, #tpu.memory_space<vmem>>) target_semaphore(%run_scoped3A : memref<!tpu.dma_semaphore, #tpu.memory_space<semaphore_mem>>)
      %dma_wait3A = arith.constant 0 : i32
      %dma_wait3A_14 = tpu.memref_slice %arg4[%mul3A_2, %dma_wait3A] : memref<10240x32xf32, #tpu.memory_space<hbm>> -> memref<640x32xf32, #tpu.memory_space<hbm>>
      %dma_wait3A_15 = arith.constant 0 : i32
      %dma_wait3A_16 = tpu.memref_slice %arg4[%mul3A_2, %dma_wait3A_15] : memref<10240x32xf32, #tpu.memory_space<hbm>> -> memref<640x32xf32, #tpu.memory_space<hbm>>
      tpu.wait_dma2 semaphore(%run_scoped3A : memref<!tpu.dma_semaphore, #tpu.memory_space<semaphore_mem>>) src(%dma_wait3A_16 : memref<640x32xf32, #tpu.memory_space<hbm>>) dst(%arg10 : memref<640x32xf32, #tpu.memory_space<vmem>>)
      tpu.yield
    }) : () -> ()
    "tpu.region"() ({
      %run_scoped3A = tpu.sem_alloc : memref<!tpu.dma_semaphore, #tpu.memory_space<semaphore_mem>>
      %dma_start3A = arith.constant 0 : i32
      %dma_start3A_11 = tpu.memref_slice %arg11[%mul3A_2, %dma_start3A] : memref<10240x32xf32, #tpu.memory_space<vmem_shared>> -> memref<640x32xf32, #tpu.memory_space<vmem_shared>>
      %dma_start3A_12 = arith.constant 0 : i32
      %dma_start3A_13 = tpu.memref_slice %arg11[%mul3A_2, %dma_start3A_12] : memref<10240x32xf32, #tpu.memory_space<vmem_shared>> -> memref<640x32xf32, #tpu.memory_space<vmem_shared>>
      tpu.enqueue_dma source(%arg10 : memref<640x32xf32, #tpu.memory_space<vmem>>) target(%dma_start3A_13 : memref<640x32xf32, #tpu.memory_space<vmem_shared>>) target_semaphore(%run_scoped3A : memref<!tpu.dma_semaphore, #tpu.memory_space<semaphore_mem>>)
      %dma_wait3A = arith.constant 0 : i32
      %dma_wait3A_14 = tpu.memref_slice %arg11[%mul3A_2, %dma_wait3A] : memref<10240x32xf32, #tpu.memory_space<vmem_shared>> -> memref<640x32xf32, #tpu.memory_space<vmem_shared>>
      %dma_wait3A_15 = arith.constant 0 : i32
      %dma_wait3A_16 = tpu.memref_slice %arg11[%mul3A_2, %dma_wait3A_15] : memref<10240x32xf32, #tpu.memory_space<vmem_shared>> -> memref<640x32xf32, #tpu.memory_space<vmem_shared>>
      tpu.wait_dma2 semaphore(%run_scoped3A : memref<!tpu.dma_semaphore, #tpu.memory_space<semaphore_mem>>) src(%arg10 : memref<640x32xf32, #tpu.memory_space<vmem>>) dst(%dma_wait3A_16 : memref<640x32xf32, #tpu.memory_space<vmem_shared>>)
      tpu.yield
    }) : () -> ()
    %barrier3A = arith.constant 0 : index
    tpu.barrier barrier_id(%barrier3A)
    %mul3A_3 = arith.constant 80 : i32
    %mul3A_4 = arith.muli %add3A, %mul3A_3 : i32
    %scan3A = arith.constant 0 : i32
    %scan3A_5 = arith.constant 0 : i32
    %scan3A_6 = arith.constant 10 : i32
    %scan3A_7 = arith.addi %scan3A_5, %scan3A_6 : i32
    %scan3A_8 = arith.constant 1 : i32
    scf.for %scan3A_11 = %scan3A_5 to %scan3A_7 step %scan3A_8  : i32 {
      %mul3A_12 = arith.constant 8 : i32
      %mul3A_13 = arith.muli %scan3A_11, %mul3A_12 : i32
      %add3A_14 = arith.addi %mul3A_4, %mul3A_13 : i32
      "tpu.region"() ({
        %run_scoped3A_30 = tpu.sem_alloc : memref<!tpu.dma_semaphore, #tpu.memory_space<semaphore_mem>>
        %dma_start3A = arith.constant 0 : i32
        %dma_start3A_31 = tpu.memref_slice %arg2[%add3A_14, %dma_start3A] : memref<2560x128xi32, #tpu.memory_space<hbm>> -> memref<8x128xi32, #tpu.memory_space<hbm>>
        %dma_start3A_32 = arith.constant 0 : i32
        %dma_start3A_33 = tpu.memref_slice %arg2[%add3A_14, %dma_start3A_32] : memref<2560x128xi32, #tpu.memory_space<hbm>> -> memref<8x128xi32, #tpu.memory_space<hbm>>
        tpu.enqueue_dma source(%dma_start3A_33 : memref<8x128xi32, #tpu.memory_space<hbm>>) target(%arg7 : memref<8x128xi32, #tpu.memory_space<vmem>>) target_semaphore(%run_scoped3A_30 : memref<!tpu.dma_semaphore, #tpu.memory_space<semaphore_mem>>)
        %dma_wait3A = arith.constant 0 : i32
        %dma_wait3A_34 = tpu.memref_slice %arg2[%add3A_14, %dma_wait3A] : memref<2560x128xi32, #tpu.memory_space<hbm>> -> memref<8x128xi32, #tpu.memory_space<hbm>>
        %dma_wait3A_35 = arith.constant 0 : i32
        %dma_wait3A_36 = tpu.memref_slice %arg2[%add3A_14, %dma_wait3A_35] : memref<2560x128xi32, #tpu.memory_space<hbm>> -> memref<8x128xi32, #tpu.memory_space<hbm>>
        tpu.wait_dma2 semaphore(%run_scoped3A_30 : memref<!tpu.dma_semaphore, #tpu.memory_space<semaphore_mem>>) src(%dma_wait3A_36 : memref<8x128xi32, #tpu.memory_space<hbm>>) dst(%arg7 : memref<8x128xi32, #tpu.memory_space<vmem>>)
        tpu.yield
      }) : () -> ()
      "tpu.region"() ({
        %run_scoped3A_30 = tpu.sem_alloc : memref<!tpu.dma_semaphore, #tpu.memory_space<semaphore_mem>>
        %dma_start3A = arith.constant 0 : i32
        %dma_start3A_31 = tpu.memref_slice %arg3[%add3A_14, %dma_start3A] : memref<2560x128xi32, #tpu.memory_space<hbm>> -> memref<8x128xi32, #tpu.memory_space<hbm>>
        %dma_start3A_32 = arith.constant 0 : i32
        %dma_start3A_33 = tpu.memref_slice %arg3[%add3A_14, %dma_start3A_32] : memref<2560x128xi32, #tpu.memory_space<hbm>> -> memref<8x128xi32, #tpu.memory_space<hbm>>
        tpu.enqueue_dma source(%dma_start3A_33 : memref<8x128xi32, #tpu.memory_space<hbm>>) target(%arg8 : memref<8x128xi32, #tpu.memory_space<vmem>>) target_semaphore(%run_scoped3A_30 : memref<!tpu.dma_semaphore, #tpu.memory_space<semaphore_mem>>)
        %dma_wait3A = arith.constant 0 : i32
        %dma_wait3A_34 = tpu.memref_slice %arg3[%add3A_14, %dma_wait3A] : memref<2560x128xi32, #tpu.memory_space<hbm>> -> memref<8x128xi32, #tpu.memory_space<hbm>>
        %dma_wait3A_35 = arith.constant 0 : i32
        %dma_wait3A_36 = tpu.memref_slice %arg3[%add3A_14, %dma_wait3A_35] : memref<2560x128xi32, #tpu.memory_space<hbm>> -> memref<8x128xi32, #tpu.memory_space<hbm>>
        tpu.wait_dma2 semaphore(%run_scoped3A_30 : memref<!tpu.dma_semaphore, #tpu.memory_space<semaphore_mem>>) src(%dma_wait3A_36 : memref<8x128xi32, #tpu.memory_space<hbm>>) dst(%arg8 : memref<8x128xi32, #tpu.memory_space<vmem>>)
        tpu.yield
      }) : () -> ()
      %run_scoped3A = arith.constant 0 : i32
      "tpu.region"() ({
        %run_scoped3A_30 = tpu.sem_alloc : memref<!tpu.dma_semaphore, #tpu.memory_space<semaphore_mem>>
        %dma_start3A = arith.constant 0 : i32
        %dma_start3A_31 = arith.constant 0 : i32
        %dma_start3A_32 = tpu.memref_slice %arg9[%dma_start3A, %dma_start3A_31] : memref<1024x32xf32, #tpu.memory_space<vmem>> -> memref<128x32xf32, #tpu.memory_space<vmem>>
        %dma_start3A_33 = arith.constant 0 : i32
        %dma_start3A_34 = tpu.memref_slice %arg7[%run_scoped3A, %dma_start3A_33] : memref<8x128xi32, #tpu.memory_space<vmem>> -> memref<1x128xi32, #tpu.memory_space<vmem>>
        %dma_start3A_35 = tpu.memref_squeeze %dma_start3A_34 : memref<1x128xi32, #tpu.memory_space<vmem>> -> memref<128xi32, #tpu.memory_space<vmem>>
        %dma_start3A_36 = arith.constant 0 : i32
        %dma_start3A_37 = arith.constant 0 : i32
        %dma_start3A_38 = tpu.memref_slice %arg11[%dma_start3A_36, %dma_start3A_37] : memref<10240x32xf32, #tpu.memory_space<vmem_shared>> -> memref<10240x32xf32, #tpu.memory_space<vmem_shared>>
        tpu.enqueue_indirect_dma source(%dma_start3A_38 : memref<10240x32xf32, #tpu.memory_space<vmem_shared>>) target(%dma_start3A_32 : memref<128x32xf32, #tpu.memory_space<vmem>>) offsets(%dma_start3A_35 : memref<128xi32, #tpu.memory_space<vmem>>) semaphore(%run_scoped3A_30 : memref<!tpu.dma_semaphore, #tpu.memory_space<semaphore_mem>>)
        %dma_wait3A = arith.constant 0 : i32
        %dma_wait3A_39 = arith.constant 0 : i32
        %dma_wait3A_40 = tpu.memref_slice %arg9[%dma_wait3A, %dma_wait3A_39] : memref<1024x32xf32, #tpu.memory_space<vmem>> -> memref<128x32xf32, #tpu.memory_space<vmem>>
        %dma_wait3A_41 = arith.constant 0 : i32
        %dma_wait3A_42 = tpu.memref_slice %arg7[%run_scoped3A, %dma_wait3A_41] : memref<8x128xi32, #tpu.memory_space<vmem>> -> memref<1x128xi32, #tpu.memory_space<vmem>>
        %dma_wait3A_43 = tpu.memref_squeeze %dma_wait3A_42 : memref<1x128xi32, #tpu.memory_space<vmem>> -> memref<128xi32, #tpu.memory_space<vmem>>
        %dma_wait3A_44 = arith.constant 0 : i32
        %dma_wait3A_45 = arith.constant 0 : i32
        %dma_wait3A_46 = tpu.memref_slice %arg11[%dma_wait3A_44, %dma_wait3A_45] : memref<10240x32xf32, #tpu.memory_space<vmem_shared>> -> memref<10240x32xf32, #tpu.memory_space<vmem_shared>>
        tpu.wait_indirect_dma semaphore(%run_scoped3A_30 : memref<!tpu.dma_semaphore, #tpu.memory_space<semaphore_mem>>) src(%dma_wait3A_46 : memref<10240x32xf32, #tpu.memory_space<vmem_shared>>) dst(%dma_wait3A_40 : memref<128x32xf32, #tpu.memory_space<vmem>>)
        tpu.yield
      }) : () -> ()
      %run_scoped3A_15 = arith.constant 0 : i32
      "tpu.region"() ({
        %run_scoped3A_30 = tpu.sem_alloc : memref<!tpu.dma_semaphore, #tpu.memory_space<semaphore_mem>>
        %dma_start3A = arith.constant 0 : i32
        %dma_start3A_31 = arith.constant 0 : i32
        %dma_start3A_32 = tpu.memref_slice %arg9[%dma_start3A, %dma_start3A_31] : memref<1024x32xf32, #tpu.memory_space<vmem>> -> memref<128x32xf32, #tpu.memory_space<vmem>>
        %dma_start3A_33 = arith.constant 0 : i32
        %dma_start3A_34 = tpu.memref_slice %arg8[%run_scoped3A_15, %dma_start3A_33] : memref<8x128xi32, #tpu.memory_space<vmem>> -> memref<1x128xi32, #tpu.memory_space<vmem>>
        %dma_start3A_35 = tpu.memref_squeeze %dma_start3A_34 : memref<1x128xi32, #tpu.memory_space<vmem>> -> memref<128xi32, #tpu.memory_space<vmem>>
        %dma_start3A_36 = arith.constant 0 : i32
        %dma_start3A_37 = arith.constant 0 : i32
        %dma_start3A_38 = tpu.memref_slice %arg12[%dma_start3A_36, %dma_start3A_37] : memref<10240x32xf32, #tpu.memory_space<vmem_shared>> -> memref<10240x32xf32, #tpu.memory_space<vmem_shared>>
        tpu.enqueue_indirect_dma source(%dma_start3A_32 : memref<128x32xf32, #tpu.memory_space<vmem>>) target(%dma_start3A_38 : memref<10240x32xf32, #tpu.memory_space<vmem_shared>>) offsets(%dma_start3A_35 : memref<128xi32, #tpu.memory_space<vmem>>) semaphore(%run_scoped3A_30 : memref<!tpu.dma_semaphore, #tpu.memory_space<semaphore_mem>>) {add = true}
        %dma_wait3A = arith.constant 0 : i32
        %dma_wait3A_39 = arith.constant 0 : i32
        %dma_wait3A_40 = tpu.memref_slice %arg9[%dma_wait3A, %dma_wait3A_39] : memref<1024x32xf32, #tpu.memory_space<vmem>> -> memref<128x32xf32, #tpu.memory_space<vmem>>
        %dma_wait3A_41 = arith.constant 0 : i32
        %dma_wait3A_42 = tpu.memref_slice %arg8[%run_scoped3A_15, %dma_wait3A_41] : memref<8x128xi32, #tpu.memory_space<vmem>> -> memref<1x128xi32, #tpu.memory_space<vmem>>
        %dma_wait3A_43 = tpu.memref_squeeze %dma_wait3A_42 : memref<1x128xi32, #tpu.memory_space<vmem>> -> memref<128xi32, #tpu.memory_space<vmem>>
        %dma_wait3A_44 = arith.constant 0 : i32
        %dma_wait3A_45 = arith.constant 0 : i32
        %dma_wait3A_46 = tpu.memref_slice %arg12[%dma_wait3A_44, %dma_wait3A_45] : memref<10240x32xf32, #tpu.memory_space<vmem_shared>> -> memref<10240x32xf32, #tpu.memory_space<vmem_shared>>
        tpu.wait_indirect_dma semaphore(%run_scoped3A_30 : memref<!tpu.dma_semaphore, #tpu.memory_space<semaphore_mem>>) src(%dma_wait3A_40 : memref<128x32xf32, #tpu.memory_space<vmem>>) dst(%dma_wait3A_46 : memref<10240x32xf32, #tpu.memory_space<vmem_shared>>)
        tpu.yield
      }) : () -> ()
      %run_scoped3A_16 = arith.constant 1 : i32
      "tpu.region"() ({
        %run_scoped3A_30 = tpu.sem_alloc : memref<!tpu.dma_semaphore, #tpu.memory_space<semaphore_mem>>
        %dma_start3A = arith.constant 128 : i32
        %dma_start3A_31 = arith.constant 0 : i32
        %dma_start3A_32 = tpu.memref_slice %arg9[%dma_start3A, %dma_start3A_31] : memref<1024x32xf32, #tpu.memory_space<vmem>> -> memref<128x32xf32, #tpu.memory_space<vmem>>
        %dma_start3A_33 = arith.constant 0 : i32
        %dma_start3A_34 = tpu.memref_slice %arg7[%run_scoped3A_16, %dma_start3A_33] : memref<8x128xi32, #tpu.memory_space<vmem>> -> memref<1x128xi32, #tpu.memory_space<vmem>>
        %dma_start3A_35 = tpu.memref_squeeze %dma_start3A_34 : memref<1x128xi32, #tpu.memory_space<vmem>> -> memref<128xi32, #tpu.memory_space<vmem>>
        %dma_start3A_36 = arith.constant 0 : i32
        %dma_start3A_37 = arith.constant 0 : i32
        %dma_start3A_38 = tpu.memref_slice %arg11[%dma_start3A_36, %dma_start3A_37] : memref<10240x32xf32, #tpu.memory_space<vmem_shared>> -> memref<10240x32xf32, #tpu.memory_space<vmem_shared>>
        tpu.enqueue_indirect_dma source(%dma_start3A_38 : memref<10240x32xf32, #tpu.memory_space<vmem_shared>>) target(%dma_start3A_32 : memref<128x32xf32, #tpu.memory_space<vmem>>) offsets(%dma_start3A_35 : memref<128xi32, #tpu.memory_space<vmem>>) semaphore(%run_scoped3A_30 : memref<!tpu.dma_semaphore, #tpu.memory_space<semaphore_mem>>)
        %dma_wait3A = arith.constant 128 : i32
        %dma_wait3A_39 = arith.constant 0 : i32
        %dma_wait3A_40 = tpu.memref_slice %arg9[%dma_wait3A, %dma_wait3A_39] : memref<1024x32xf32, #tpu.memory_space<vmem>> -> memref<128x32xf32, #tpu.memory_space<vmem>>
        %dma_wait3A_41 = arith.constant 0 : i32
        %dma_wait3A_42 = tpu.memref_slice %arg7[%run_scoped3A_16, %dma_wait3A_41] : memref<8x128xi32, #tpu.memory_space<vmem>> -> memref<1x128xi32, #tpu.memory_space<vmem>>
        %dma_wait3A_43 = tpu.memref_squeeze %dma_wait3A_42 : memref<1x128xi32, #tpu.memory_space<vmem>> -> memref<128xi32, #tpu.memory_space<vmem>>
        %dma_wait3A_44 = arith.constant 0 : i32
        %dma_wait3A_45 = arith.constant 0 : i32
        %dma_wait3A_46 = tpu.memref_slice %arg11[%dma_wait3A_44, %dma_wait3A_45] : memref<10240x32xf32, #tpu.memory_space<vmem_shared>> -> memref<10240x32xf32, #tpu.memory_space<vmem_shared>>
        tpu.wait_indirect_dma semaphore(%run_scoped3A_30 : memref<!tpu.dma_semaphore, #tpu.memory_space<semaphore_mem>>) src(%dma_wait3A_46 : memref<10240x32xf32, #tpu.memory_space<vmem_shared>>) dst(%dma_wait3A_40 : memref<128x32xf32, #tpu.memory_space<vmem>>)
        tpu.yield
      }) : () -> ()
      %run_scoped3A_17 = arith.constant 1 : i32
      "tpu.region"() ({
        %run_scoped3A_30 = tpu.sem_alloc : memref<!tpu.dma_semaphore, #tpu.memory_space<semaphore_mem>>
        %dma_start3A = arith.constant 128 : i32
        %dma_start3A_31 = arith.constant 0 : i32
        %dma_start3A_32 = tpu.memref_slice %arg9[%dma_start3A, %dma_start3A_31] : memref<1024x32xf32, #tpu.memory_space<vmem>> -> memref<128x32xf32, #tpu.memory_space<vmem>>
        %dma_start3A_33 = arith.constant 0 : i32
        %dma_start3A_34 = tpu.memref_slice %arg8[%run_scoped3A_17, %dma_start3A_33] : memref<8x128xi32, #tpu.memory_space<vmem>> -> memref<1x128xi32, #tpu.memory_space<vmem>>
        %dma_start3A_35 = tpu.memref_squeeze %dma_start3A_34 : memref<1x128xi32, #tpu.memory_space<vmem>> -> memref<128xi32, #tpu.memory_space<vmem>>
        %dma_start3A_36 = arith.constant 0 : i32
        %dma_start3A_37 = arith.constant 0 : i32
        %dma_start3A_38 = tpu.memref_slice %arg12[%dma_start3A_36, %dma_start3A_37] : memref<10240x32xf32, #tpu.memory_space<vmem_shared>> -> memref<10240x32xf32, #tpu.memory_space<vmem_shared>>
        tpu.enqueue_indirect_dma source(%dma_start3A_32 : memref<128x32xf32, #tpu.memory_space<vmem>>) target(%dma_start3A_38 : memref<10240x32xf32, #tpu.memory_space<vmem_shared>>) offsets(%dma_start3A_35 : memref<128xi32, #tpu.memory_space<vmem>>) semaphore(%run_scoped3A_30 : memref<!tpu.dma_semaphore, #tpu.memory_space<semaphore_mem>>) {add = true}
        %dma_wait3A = arith.constant 128 : i32
        %dma_wait3A_39 = arith.constant 0 : i32
        %dma_wait3A_40 = tpu.memref_slice %arg9[%dma_wait3A, %dma_wait3A_39] : memref<1024x32xf32, #tpu.memory_space<vmem>> -> memref<128x32xf32, #tpu.memory_space<vmem>>
        %dma_wait3A_41 = arith.constant 0 : i32
        %dma_wait3A_42 = tpu.memref_slice %arg8[%run_scoped3A_17, %dma_wait3A_41] : memref<8x128xi32, #tpu.memory_space<vmem>> -> memref<1x128xi32, #tpu.memory_space<vmem>>
        %dma_wait3A_43 = tpu.memref_squeeze %dma_wait3A_42 : memref<1x128xi32, #tpu.memory_space<vmem>> -> memref<128xi32, #tpu.memory_space<vmem>>
        %dma_wait3A_44 = arith.constant 0 : i32
        %dma_wait3A_45 = arith.constant 0 : i32
        %dma_wait3A_46 = tpu.memref_slice %arg12[%dma_wait3A_44, %dma_wait3A_45] : memref<10240x32xf32, #tpu.memory_space<vmem_shared>> -> memref<10240x32xf32, #tpu.memory_space<vmem_shared>>
        tpu.wait_indirect_dma semaphore(%run_scoped3A_30 : memref<!tpu.dma_semaphore, #tpu.memory_space<semaphore_mem>>) src(%dma_wait3A_40 : memref<128x32xf32, #tpu.memory_space<vmem>>) dst(%dma_wait3A_46 : memref<10240x32xf32, #tpu.memory_space<vmem_shared>>)
        tpu.yield
      }) : () -> ()
      %run_scoped3A_18 = arith.constant 2 : i32
      "tpu.region"() ({
        %run_scoped3A_30 = tpu.sem_alloc : memref<!tpu.dma_semaphore, #tpu.memory_space<semaphore_mem>>
        %dma_start3A = arith.constant 256 : i32
        %dma_start3A_31 = arith.constant 0 : i32
        %dma_start3A_32 = tpu.memref_slice %arg9[%dma_start3A, %dma_start3A_31] : memref<1024x32xf32, #tpu.memory_space<vmem>> -> memref<128x32xf32, #tpu.memory_space<vmem>>
        %dma_start3A_33 = arith.constant 0 : i32
        %dma_start3A_34 = tpu.memref_slice %arg7[%run_scoped3A_18, %dma_start3A_33] : memref<8x128xi32, #tpu.memory_space<vmem>> -> memref<1x128xi32, #tpu.memory_space<vmem>>
        %dma_start3A_35 = tpu.memref_squeeze %dma_start3A_34 : memref<1x128xi32, #tpu.memory_space<vmem>> -> memref<128xi32, #tpu.memory_space<vmem>>
        %dma_start3A_36 = arith.constant 0 : i32
        %dma_start3A_37 = arith.constant 0 : i32
        %dma_start3A_38 = tpu.memref_slice %arg11[%dma_start3A_36, %dma_start3A_37] : memref<10240x32xf32, #tpu.memory_space<vmem_shared>> -> memref<10240x32xf32, #tpu.memory_space<vmem_shared>>
        tpu.enqueue_indirect_dma source(%dma_start3A_38 : memref<10240x32xf32, #tpu.memory_space<vmem_shared>>) target(%dma_start3A_32 : memref<128x32xf32, #tpu.memory_space<vmem>>) offsets(%dma_start3A_35 : memref<128xi32, #tpu.memory_space<vmem>>) semaphore(%run_scoped3A_30 : memref<!tpu.dma_semaphore, #tpu.memory_space<semaphore_mem>>)
        %dma_wait3A = arith.constant 256 : i32
        %dma_wait3A_39 = arith.constant 0 : i32
        %dma_wait3A_40 = tpu.memref_slice %arg9[%dma_wait3A, %dma_wait3A_39] : memref<1024x32xf32, #tpu.memory_space<vmem>> -> memref<128x32xf32, #tpu.memory_space<vmem>>
        %dma_wait3A_41 = arith.constant 0 : i32
        %dma_wait3A_42 = tpu.memref_slice %arg7[%run_scoped3A_18, %dma_wait3A_41] : memref<8x128xi32, #tpu.memory_space<vmem>> -> memref<1x128xi32, #tpu.memory_space<vmem>>
        %dma_wait3A_43 = tpu.memref_squeeze %dma_wait3A_42 : memref<1x128xi32, #tpu.memory_space<vmem>> -> memref<128xi32, #tpu.memory_space<vmem>>
        %dma_wait3A_44 = arith.constant 0 : i32
        %dma_wait3A_45 = arith.constant 0 : i32
        %dma_wait3A_46 = tpu.memref_slice %arg11[%dma_wait3A_44, %dma_wait3A_45] : memref<10240x32xf32, #tpu.memory_space<vmem_shared>> -> memref<10240x32xf32, #tpu.memory_space<vmem_shared>>
        tpu.wait_indirect_dma semaphore(%run_scoped3A_30 : memref<!tpu.dma_semaphore, #tpu.memory_space<semaphore_mem>>) src(%dma_wait3A_46 : memref<10240x32xf32, #tpu.memory_space<vmem_shared>>) dst(%dma_wait3A_40 : memref<128x32xf32, #tpu.memory_space<vmem>>)
        tpu.yield
      }) : () -> ()
      %run_scoped3A_19 = arith.constant 2 : i32
      "tpu.region"() ({
        %run_scoped3A_30 = tpu.sem_alloc : memref<!tpu.dma_semaphore, #tpu.memory_space<semaphore_mem>>
        %dma_start3A = arith.constant 256 : i32
        %dma_start3A_31 = arith.constant 0 : i32
        %dma_start3A_32 = tpu.memref_slice %arg9[%dma_start3A, %dma_start3A_31] : memref<1024x32xf32, #tpu.memory_space<vmem>> -> memref<128x32xf32, #tpu.memory_space<vmem>>
        %dma_start3A_33 = arith.constant 0 : i32
        %dma_start3A_34 = tpu.memref_slice %arg8[%run_scoped3A_19, %dma_start3A_33] : memref<8x128xi32, #tpu.memory_space<vmem>> -> memref<1x128xi32, #tpu.memory_space<vmem>>
        %dma_start3A_35 = tpu.memref_squeeze %dma_start3A_34 : memref<1x128xi32, #tpu.memory_space<vmem>> -> memref<128xi32, #tpu.memory_space<vmem>>
        %dma_start3A_36 = arith.constant 0 : i32
        %dma_start3A_37 = arith.constant 0 : i32
        %dma_start3A_38 = tpu.memref_slice %arg12[%dma_start3A_36, %dma_start3A_37] : memref<10240x32xf32, #tpu.memory_space<vmem_shared>> -> memref<10240x32xf32, #tpu.memory_space<vmem_shared>>
        tpu.enqueue_indirect_dma source(%dma_start3A_32 : memref<128x32xf32, #tpu.memory_space<vmem>>) target(%dma_start3A_38 : memref<10240x32xf32, #tpu.memory_space<vmem_shared>>) offsets(%dma_start3A_35 : memref<128xi32, #tpu.memory_space<vmem>>) semaphore(%run_scoped3A_30 : memref<!tpu.dma_semaphore, #tpu.memory_space<semaphore_mem>>) {add = true}
        %dma_wait3A = arith.constant 256 : i32
        %dma_wait3A_39 = arith.constant 0 : i32
        %dma_wait3A_40 = tpu.memref_slice %arg9[%dma_wait3A, %dma_wait3A_39] : memref<1024x32xf32, #tpu.memory_space<vmem>> -> memref<128x32xf32, #tpu.memory_space<vmem>>
        %dma_wait3A_41 = arith.constant 0 : i32
        %dma_wait3A_42 = tpu.memref_slice %arg8[%run_scoped3A_19, %dma_wait3A_41] : memref<8x128xi32, #tpu.memory_space<vmem>> -> memref<1x128xi32, #tpu.memory_space<vmem>>
        %dma_wait3A_43 = tpu.memref_squeeze %dma_wait3A_42 : memref<1x128xi32, #tpu.memory_space<vmem>> -> memref<128xi32, #tpu.memory_space<vmem>>
        %dma_wait3A_44 = arith.constant 0 : i32
        %dma_wait3A_45 = arith.constant 0 : i32
        %dma_wait3A_46 = tpu.memref_slice %arg12[%dma_wait3A_44, %dma_wait3A_45] : memref<10240x32xf32, #tpu.memory_space<vmem_shared>> -> memref<10240x32xf32, #tpu.memory_space<vmem_shared>>
        tpu.wait_indirect_dma semaphore(%run_scoped3A_30 : memref<!tpu.dma_semaphore, #tpu.memory_space<semaphore_mem>>) src(%dma_wait3A_40 : memref<128x32xf32, #tpu.memory_space<vmem>>) dst(%dma_wait3A_46 : memref<10240x32xf32, #tpu.memory_space<vmem_shared>>)
        tpu.yield
      }) : () -> ()
      %run_scoped3A_20 = arith.constant 3 : i32
      "tpu.region"() ({
        %run_scoped3A_30 = tpu.sem_alloc : memref<!tpu.dma_semaphore, #tpu.memory_space<semaphore_mem>>
        %dma_start3A = arith.constant 384 : i32
        %dma_start3A_31 = arith.constant 0 : i32
        %dma_start3A_32 = tpu.memref_slice %arg9[%dma_start3A, %dma_start3A_31] : memref<1024x32xf32, #tpu.memory_space<vmem>> -> memref<128x32xf32, #tpu.memory_space<vmem>>
        %dma_start3A_33 = arith.constant 0 : i32
        %dma_start3A_34 = tpu.memref_slice %arg7[%run_scoped3A_20, %dma_start3A_33] : memref<8x128xi32, #tpu.memory_space<vmem>> -> memref<1x128xi32, #tpu.memory_space<vmem>>
        %dma_start3A_35 = tpu.memref_squeeze %dma_start3A_34 : memref<1x128xi32, #tpu.memory_space<vmem>> -> memref<128xi32, #tpu.memory_space<vmem>>
        %dma_start3A_36 = arith.constant 0 : i32
        %dma_start3A_37 = arith.constant 0 : i32
        %dma_start3A_38 = tpu.memref_slice %arg11[%dma_start3A_36, %dma_start3A_37] : memref<10240x32xf32, #tpu.memory_space<vmem_shared>> -> memref<10240x32xf32, #tpu.memory_space<vmem_shared>>
        tpu.enqueue_indirect_dma source(%dma_start3A_38 : memref<10240x32xf32, #tpu.memory_space<vmem_shared>>) target(%dma_start3A_32 : memref<128x32xf32, #tpu.memory_space<vmem>>) offsets(%dma_start3A_35 : memref<128xi32, #tpu.memory_space<vmem>>) semaphore(%run_scoped3A_30 : memref<!tpu.dma_semaphore, #tpu.memory_space<semaphore_mem>>)
        %dma_wait3A = arith.constant 384 : i32
        %dma_wait3A_39 = arith.constant 0 : i32
        %dma_wait3A_40 = tpu.memref_slice %arg9[%dma_wait3A, %dma_wait3A_39] : memref<1024x32xf32, #tpu.memory_space<vmem>> -> memref<128x32xf32, #tpu.memory_space<vmem>>
        %dma_wait3A_41 = arith.constant 0 : i32
        %dma_wait3A_42 = tpu.memref_slice %arg7[%run_scoped3A_20, %dma_wait3A_41] : memref<8x128xi32, #tpu.memory_space<vmem>> -> memref<1x128xi32, #tpu.memory_space<vmem>>
        %dma_wait3A_43 = tpu.memref_squeeze %dma_wait3A_42 : memref<1x128xi32, #tpu.memory_space<vmem>> -> memref<128xi32, #tpu.memory_space<vmem>>
        %dma_wait3A_44 = arith.constant 0 : i32
        %dma_wait3A_45 = arith.constant 0 : i32
        %dma_wait3A_46 = tpu.memref_slice %arg11[%dma_wait3A_44, %dma_wait3A_45] : memref<10240x32xf32, #tpu.memory_space<vmem_shared>> -> memref<10240x32xf32, #tpu.memory_space<vmem_shared>>
        tpu.wait_indirect_dma semaphore(%run_scoped3A_30 : memref<!tpu.dma_semaphore, #tpu.memory_space<semaphore_mem>>) src(%dma_wait3A_46 : memref<10240x32xf32, #tpu.memory_space<vmem_shared>>) dst(%dma_wait3A_40 : memref<128x32xf32, #tpu.memory_space<vmem>>)
        tpu.yield
      }) : () -> ()
      %run_scoped3A_21 = arith.constant 3 : i32
      "tpu.region"() ({
        %run_scoped3A_30 = tpu.sem_alloc : memref<!tpu.dma_semaphore, #tpu.memory_space<semaphore_mem>>
        %dma_start3A = arith.constant 384 : i32
        %dma_start3A_31 = arith.constant 0 : i32
        %dma_start3A_32 = tpu.memref_slice %arg9[%dma_start3A, %dma_start3A_31] : memref<1024x32xf32, #tpu.memory_space<vmem>> -> memref<128x32xf32, #tpu.memory_space<vmem>>
        %dma_start3A_33 = arith.constant 0 : i32
        %dma_start3A_34 = tpu.memref_slice %arg8[%run_scoped3A_21, %dma_start3A_33] : memref<8x128xi32, #tpu.memory_space<vmem>> -> memref<1x128xi32, #tpu.memory_space<vmem>>
        %dma_start3A_35 = tpu.memref_squeeze %dma_start3A_34 : memref<1x128xi32, #tpu.memory_space<vmem>> -> memref<128xi32, #tpu.memory_space<vmem>>
        %dma_start3A_36 = arith.constant 0 : i32
        %dma_start3A_37 = arith.constant 0 : i32
        %dma_start3A_38 = tpu.memref_slice %arg12[%dma_start3A_36, %dma_start3A_37] : memref<10240x32xf32, #tpu.memory_space<vmem_shared>> -> memref<10240x32xf32, #tpu.memory_space<vmem_shared>>
        tpu.enqueue_indirect_dma source(%dma_start3A_32 : memref<128x32xf32, #tpu.memory_space<vmem>>) target(%dma_start3A_38 : memref<10240x32xf32, #tpu.memory_space<vmem_shared>>) offsets(%dma_start3A_35 : memref<128xi32, #tpu.memory_space<vmem>>) semaphore(%run_scoped3A_30 : memref<!tpu.dma_semaphore, #tpu.memory_space<semaphore_mem>>) {add = true}
        %dma_wait3A = arith.constant 384 : i32
        %dma_wait3A_39 = arith.constant 0 : i32
        %dma_wait3A_40 = tpu.memref_slice %arg9[%dma_wait3A, %dma_wait3A_39] : memref<1024x32xf32, #tpu.memory_space<vmem>> -> memref<128x32xf32, #tpu.memory_space<vmem>>
        %dma_wait3A_41 = arith.constant 0 : i32
        %dma_wait3A_42 = tpu.memref_slice %arg8[%run_scoped3A_21, %dma_wait3A_41] : memref<8x128xi32, #tpu.memory_space<vmem>> -> memref<1x128xi32, #tpu.memory_space<vmem>>
        %dma_wait3A_43 = tpu.memref_squeeze %dma_wait3A_42 : memref<1x128xi32, #tpu.memory_space<vmem>> -> memref<128xi32, #tpu.memory_space<vmem>>
        %dma_wait3A_44 = arith.constant 0 : i32
        %dma_wait3A_45 = arith.constant 0 : i32
        %dma_wait3A_46 = tpu.memref_slice %arg12[%dma_wait3A_44, %dma_wait3A_45] : memref<10240x32xf32, #tpu.memory_space<vmem_shared>> -> memref<10240x32xf32, #tpu.memory_space<vmem_shared>>
        tpu.wait_indirect_dma semaphore(%run_scoped3A_30 : memref<!tpu.dma_semaphore, #tpu.memory_space<semaphore_mem>>) src(%dma_wait3A_40 : memref<128x32xf32, #tpu.memory_space<vmem>>) dst(%dma_wait3A_46 : memref<10240x32xf32, #tpu.memory_space<vmem_shared>>)
        tpu.yield
      }) : () -> ()
      %run_scoped3A_22 = arith.constant 4 : i32
      "tpu.region"() ({
        %run_scoped3A_30 = tpu.sem_alloc : memref<!tpu.dma_semaphore, #tpu.memory_space<semaphore_mem>>
        %dma_start3A = arith.constant 512 : i32
        %dma_start3A_31 = arith.constant 0 : i32
        %dma_start3A_32 = tpu.memref_slice %arg9[%dma_start3A, %dma_start3A_31] : memref<1024x32xf32, #tpu.memory_space<vmem>> -> memref<128x32xf32, #tpu.memory_space<vmem>>
        %dma_start3A_33 = arith.constant 0 : i32
        %dma_start3A_34 = tpu.memref_slice %arg7[%run_scoped3A_22, %dma_start3A_33] : memref<8x128xi32, #tpu.memory_space<vmem>> -> memref<1x128xi32, #tpu.memory_space<vmem>>
        %dma_start3A_35 = tpu.memref_squeeze %dma_start3A_34 : memref<1x128xi32, #tpu.memory_space<vmem>> -> memref<128xi32, #tpu.memory_space<vmem>>
        %dma_start3A_36 = arith.constant 0 : i32
        %dma_start3A_37 = arith.constant 0 : i32
        %dma_start3A_38 = tpu.memref_slice %arg11[%dma_start3A_36, %dma_start3A_37] : memref<10240x32xf32, #tpu.memory_space<vmem_shared>> -> memref<10240x32xf32, #tpu.memory_space<vmem_shared>>
        tpu.enqueue_indirect_dma source(%dma_start3A_38 : memref<10240x32xf32, #tpu.memory_space<vmem_shared>>) target(%dma_start3A_32 : memref<128x32xf32, #tpu.memory_space<vmem>>) offsets(%dma_start3A_35 : memref<128xi32, #tpu.memory_space<vmem>>) semaphore(%run_scoped3A_30 : memref<!tpu.dma_semaphore, #tpu.memory_space<semaphore_mem>>)
        %dma_wait3A = arith.constant 512 : i32
        %dma_wait3A_39 = arith.constant 0 : i32
        %dma_wait3A_40 = tpu.memref_slice %arg9[%dma_wait3A, %dma_wait3A_39] : memref<1024x32xf32, #tpu.memory_space<vmem>> -> memref<128x32xf32, #tpu.memory_space<vmem>>
        %dma_wait3A_41 = arith.constant 0 : i32
        %dma_wait3A_42 = tpu.memref_slice %arg7[%run_scoped3A_22, %dma_wait3A_41] : memref<8x128xi32, #tpu.memory_space<vmem>> -> memref<1x128xi32, #tpu.memory_space<vmem>>
        %dma_wait3A_43 = tpu.memref_squeeze %dma_wait3A_42 : memref<1x128xi32, #tpu.memory_space<vmem>> -> memref<128xi32, #tpu.memory_space<vmem>>
        %dma_wait3A_44 = arith.constant 0 : i32
        %dma_wait3A_45 = arith.constant 0 : i32
        %dma_wait3A_46 = tpu.memref_slice %arg11[%dma_wait3A_44, %dma_wait3A_45] : memref<10240x32xf32, #tpu.memory_space<vmem_shared>> -> memref<10240x32xf32, #tpu.memory_space<vmem_shared>>
        tpu.wait_indirect_dma semaphore(%run_scoped3A_30 : memref<!tpu.dma_semaphore, #tpu.memory_space<semaphore_mem>>) src(%dma_wait3A_46 : memref<10240x32xf32, #tpu.memory_space<vmem_shared>>) dst(%dma_wait3A_40 : memref<128x32xf32, #tpu.memory_space<vmem>>)
        tpu.yield
      }) : () -> ()
      %run_scoped3A_23 = arith.constant 4 : i32
      "tpu.region"() ({
        %run_scoped3A_30 = tpu.sem_alloc : memref<!tpu.dma_semaphore, #tpu.memory_space<semaphore_mem>>
        %dma_start3A = arith.constant 512 : i32
        %dma_start3A_31 = arith.constant 0 : i32
        %dma_start3A_32 = tpu.memref_slice %arg9[%dma_start3A, %dma_start3A_31] : memref<1024x32xf32, #tpu.memory_space<vmem>> -> memref<128x32xf32, #tpu.memory_space<vmem>>
        %dma_start3A_33 = arith.constant 0 : i32
        %dma_start3A_34 = tpu.memref_slice %arg8[%run_scoped3A_23, %dma_start3A_33] : memref<8x128xi32, #tpu.memory_space<vmem>> -> memref<1x128xi32, #tpu.memory_space<vmem>>
        %dma_start3A_35 = tpu.memref_squeeze %dma_start3A_34 : memref<1x128xi32, #tpu.memory_space<vmem>> -> memref<128xi32, #tpu.memory_space<vmem>>
        %dma_start3A_36 = arith.constant 0 : i32
        %dma_start3A_37 = arith.constant 0 : i32
        %dma_start3A_38 = tpu.memref_slice %arg12[%dma_start3A_36, %dma_start3A_37] : memref<10240x32xf32, #tpu.memory_space<vmem_shared>> -> memref<10240x32xf32, #tpu.memory_space<vmem_shared>>
        tpu.enqueue_indirect_dma source(%dma_start3A_32 : memref<128x32xf32, #tpu.memory_space<vmem>>) target(%dma_start3A_38 : memref<10240x32xf32, #tpu.memory_space<vmem_shared>>) offsets(%dma_start3A_35 : memref<128xi32, #tpu.memory_space<vmem>>) semaphore(%run_scoped3A_30 : memref<!tpu.dma_semaphore, #tpu.memory_space<semaphore_mem>>) {add = true}
        %dma_wait3A = arith.constant 512 : i32
        %dma_wait3A_39 = arith.constant 0 : i32
        %dma_wait3A_40 = tpu.memref_slice %arg9[%dma_wait3A, %dma_wait3A_39] : memref<1024x32xf32, #tpu.memory_space<vmem>> -> memref<128x32xf32, #tpu.memory_space<vmem>>
        %dma_wait3A_41 = arith.constant 0 : i32
        %dma_wait3A_42 = tpu.memref_slice %arg8[%run_scoped3A_23, %dma_wait3A_41] : memref<8x128xi32, #tpu.memory_space<vmem>> -> memref<1x128xi32, #tpu.memory_space<vmem>>
        %dma_wait3A_43 = tpu.memref_squeeze %dma_wait3A_42 : memref<1x128xi32, #tpu.memory_space<vmem>> -> memref<128xi32, #tpu.memory_space<vmem>>
        %dma_wait3A_44 = arith.constant 0 : i32
        %dma_wait3A_45 = arith.constant 0 : i32
        %dma_wait3A_46 = tpu.memref_slice %arg12[%dma_wait3A_44, %dma_wait3A_45] : memref<10240x32xf32, #tpu.memory_space<vmem_shared>> -> memref<10240x32xf32, #tpu.memory_space<vmem_shared>>
        tpu.wait_indirect_dma semaphore(%run_scoped3A_30 : memref<!tpu.dma_semaphore, #tpu.memory_space<semaphore_mem>>) src(%dma_wait3A_40 : memref<128x32xf32, #tpu.memory_space<vmem>>) dst(%dma_wait3A_46 : memref<10240x32xf32, #tpu.memory_space<vmem_shared>>)
        tpu.yield
      }) : () -> ()
      %run_scoped3A_24 = arith.constant 5 : i32
      "tpu.region"() ({
        %run_scoped3A_30 = tpu.sem_alloc : memref<!tpu.dma_semaphore, #tpu.memory_space<semaphore_mem>>
        %dma_start3A = arith.constant 640 : i32
        %dma_start3A_31 = arith.constant 0 : i32
        %dma_start3A_32 = tpu.memref_slice %arg9[%dma_start3A, %dma_start3A_31] : memref<1024x32xf32, #tpu.memory_space<vmem>> -> memref<128x32xf32, #tpu.memory_space<vmem>>
        %dma_start3A_33 = arith.constant 0 : i32
        %dma_start3A_34 = tpu.memref_slice %arg7[%run_scoped3A_24, %dma_start3A_33] : memref<8x128xi32, #tpu.memory_space<vmem>> -> memref<1x128xi32, #tpu.memory_space<vmem>>
        %dma_start3A_35 = tpu.memref_squeeze %dma_start3A_34 : memref<1x128xi32, #tpu.memory_space<vmem>> -> memref<128xi32, #tpu.memory_space<vmem>>
        %dma_start3A_36 = arith.constant 0 : i32
        %dma_start3A_37 = arith.constant 0 : i32
        %dma_start3A_38 = tpu.memref_slice %arg11[%dma_start3A_36, %dma_start3A_37] : memref<10240x32xf32, #tpu.memory_space<vmem_shared>> -> memref<10240x32xf32, #tpu.memory_space<vmem_shared>>
        tpu.enqueue_indirect_dma source(%dma_start3A_38 : memref<10240x32xf32, #tpu.memory_space<vmem_shared>>) target(%dma_start3A_32 : memref<128x32xf32, #tpu.memory_space<vmem>>) offsets(%dma_start3A_35 : memref<128xi32, #tpu.memory_space<vmem>>) semaphore(%run_scoped3A_30 : memref<!tpu.dma_semaphore, #tpu.memory_space<semaphore_mem>>)
        %dma_wait3A = arith.constant 640 : i32
        %dma_wait3A_39 = arith.constant 0 : i32
        %dma_wait3A_40 = tpu.memref_slice %arg9[%dma_wait3A, %dma_wait3A_39] : memref<1024x32xf32, #tpu.memory_space<vmem>> -> memref<128x32xf32, #tpu.memory_space<vmem>>
        %dma_wait3A_41 = arith.constant 0 : i32
        %dma_wait3A_42 = tpu.memref_slice %arg7[%run_scoped3A_24, %dma_wait3A_41] : memref<8x128xi32, #tpu.memory_space<vmem>> -> memref<1x128xi32, #tpu.memory_space<vmem>>
        %dma_wait3A_43 = tpu.memref_squeeze %dma_wait3A_42 : memref<1x128xi32, #tpu.memory_space<vmem>> -> memref<128xi32, #tpu.memory_space<vmem>>
        %dma_wait3A_44 = arith.constant 0 : i32
        %dma_wait3A_45 = arith.constant 0 : i32
        %dma_wait3A_46 = tpu.memref_slice %arg11[%dma_wait3A_44, %dma_wait3A_45] : memref<10240x32xf32, #tpu.memory_space<vmem_shared>> -> memref<10240x32xf32, #tpu.memory_space<vmem_shared>>
        tpu.wait_indirect_dma semaphore(%run_scoped3A_30 : memref<!tpu.dma_semaphore, #tpu.memory_space<semaphore_mem>>) src(%dma_wait3A_46 : memref<10240x32xf32, #tpu.memory_space<vmem_shared>>) dst(%dma_wait3A_40 : memref<128x32xf32, #tpu.memory_space<vmem>>)
        tpu.yield
      }) : () -> ()
      %run_scoped3A_25 = arith.constant 5 : i32
      "tpu.region"() ({
        %run_scoped3A_30 = tpu.sem_alloc : memref<!tpu.dma_semaphore, #tpu.memory_space<semaphore_mem>>
        %dma_start3A = arith.constant 640 : i32
        %dma_start3A_31 = arith.constant 0 : i32
        %dma_start3A_32 = tpu.memref_slice %arg9[%dma_start3A, %dma_start3A_31] : memref<1024x32xf32, #tpu.memory_space<vmem>> -> memref<128x32xf32, #tpu.memory_space<vmem>>
        %dma_start3A_33 = arith.constant 0 : i32
        %dma_start3A_34 = tpu.memref_slice %arg8[%run_scoped3A_25, %dma_start3A_33] : memref<8x128xi32, #tpu.memory_space<vmem>> -> memref<1x128xi32, #tpu.memory_space<vmem>>
        %dma_start3A_35 = tpu.memref_squeeze %dma_start3A_34 : memref<1x128xi32, #tpu.memory_space<vmem>> -> memref<128xi32, #tpu.memory_space<vmem>>
        %dma_start3A_36 = arith.constant 0 : i32
        %dma_start3A_37 = arith.constant 0 : i32
        %dma_start3A_38 = tpu.memref_slice %arg12[%dma_start3A_36, %dma_start3A_37] : memref<10240x32xf32, #tpu.memory_space<vmem_shared>> -> memref<10240x32xf32, #tpu.memory_space<vmem_shared>>
        tpu.enqueue_indirect_dma source(%dma_start3A_32 : memref<128x32xf32, #tpu.memory_space<vmem>>) target(%dma_start3A_38 : memref<10240x32xf32, #tpu.memory_space<vmem_shared>>) offsets(%dma_start3A_35 : memref<128xi32, #tpu.memory_space<vmem>>) semaphore(%run_scoped3A_30 : memref<!tpu.dma_semaphore, #tpu.memory_space<semaphore_mem>>) {add = true}
        %dma_wait3A = arith.constant 640 : i32
        %dma_wait3A_39 = arith.constant 0 : i32
        %dma_wait3A_40 = tpu.memref_slice %arg9[%dma_wait3A, %dma_wait3A_39] : memref<1024x32xf32, #tpu.memory_space<vmem>> -> memref<128x32xf32, #tpu.memory_space<vmem>>
        %dma_wait3A_41 = arith.constant 0 : i32
        %dma_wait3A_42 = tpu.memref_slice %arg8[%run_scoped3A_25, %dma_wait3A_41] : memref<8x128xi32, #tpu.memory_space<vmem>> -> memref<1x128xi32, #tpu.memory_space<vmem>>
        %dma_wait3A_43 = tpu.memref_squeeze %dma_wait3A_42 : memref<1x128xi32, #tpu.memory_space<vmem>> -> memref<128xi32, #tpu.memory_space<vmem>>
        %dma_wait3A_44 = arith.constant 0 : i32
        %dma_wait3A_45 = arith.constant 0 : i32
        %dma_wait3A_46 = tpu.memref_slice %arg12[%dma_wait3A_44, %dma_wait3A_45] : memref<10240x32xf32, #tpu.memory_space<vmem_shared>> -> memref<10240x32xf32, #tpu.memory_space<vmem_shared>>
        tpu.wait_indirect_dma semaphore(%run_scoped3A_30 : memref<!tpu.dma_semaphore, #tpu.memory_space<semaphore_mem>>) src(%dma_wait3A_40 : memref<128x32xf32, #tpu.memory_space<vmem>>) dst(%dma_wait3A_46 : memref<10240x32xf32, #tpu.memory_space<vmem_shared>>)
        tpu.yield
      }) : () -> ()
      %run_scoped3A_26 = arith.constant 6 : i32
      "tpu.region"() ({
        %run_scoped3A_30 = tpu.sem_alloc : memref<!tpu.dma_semaphore, #tpu.memory_space<semaphore_mem>>
        %dma_start3A = arith.constant 768 : i32
        %dma_start3A_31 = arith.constant 0 : i32
        %dma_start3A_32 = tpu.memref_slice %arg9[%dma_start3A, %dma_start3A_31] : memref<1024x32xf32, #tpu.memory_space<vmem>> -> memref<128x32xf32, #tpu.memory_space<vmem>>
        %dma_start3A_33 = arith.constant 0 : i32
        %dma_start3A_34 = tpu.memref_slice %arg7[%run_scoped3A_26, %dma_start3A_33] : memref<8x128xi32, #tpu.memory_space<vmem>> -> memref<1x128xi32, #tpu.memory_space<vmem>>
        %dma_start3A_35 = tpu.memref_squeeze %dma_start3A_34 : memref<1x128xi32, #tpu.memory_space<vmem>> -> memref<128xi32, #tpu.memory_space<vmem>>
        %dma_start3A_36 = arith.constant 0 : i32
        %dma_start3A_37 = arith.constant 0 : i32
        %dma_start3A_38 = tpu.memref_slice %arg11[%dma_start3A_36, %dma_start3A_37] : memref<10240x32xf32, #tpu.memory_space<vmem_shared>> -> memref<10240x32xf32, #tpu.memory_space<vmem_shared>>
        tpu.enqueue_indirect_dma source(%dma_start3A_38 : memref<10240x32xf32, #tpu.memory_space<vmem_shared>>) target(%dma_start3A_32 : memref<128x32xf32, #tpu.memory_space<vmem>>) offsets(%dma_start3A_35 : memref<128xi32, #tpu.memory_space<vmem>>) semaphore(%run_scoped3A_30 : memref<!tpu.dma_semaphore, #tpu.memory_space<semaphore_mem>>)
        %dma_wait3A = arith.constant 768 : i32
        %dma_wait3A_39 = arith.constant 0 : i32
        %dma_wait3A_40 = tpu.memref_slice %arg9[%dma_wait3A, %dma_wait3A_39] : memref<1024x32xf32, #tpu.memory_space<vmem>> -> memref<128x32xf32, #tpu.memory_space<vmem>>
        %dma_wait3A_41 = arith.constant 0 : i32
        %dma_wait3A_42 = tpu.memref_slice %arg7[%run_scoped3A_26, %dma_wait3A_41] : memref<8x128xi32, #tpu.memory_space<vmem>> -> memref<1x128xi32, #tpu.memory_space<vmem>>
        %dma_wait3A_43 = tpu.memref_squeeze %dma_wait3A_42 : memref<1x128xi32, #tpu.memory_space<vmem>> -> memref<128xi32, #tpu.memory_space<vmem>>
        %dma_wait3A_44 = arith.constant 0 : i32
        %dma_wait3A_45 = arith.constant 0 : i32
        %dma_wait3A_46 = tpu.memref_slice %arg11[%dma_wait3A_44, %dma_wait3A_45] : memref<10240x32xf32, #tpu.memory_space<vmem_shared>> -> memref<10240x32xf32, #tpu.memory_space<vmem_shared>>
        tpu.wait_indirect_dma semaphore(%run_scoped3A_30 : memref<!tpu.dma_semaphore, #tpu.memory_space<semaphore_mem>>) src(%dma_wait3A_46 : memref<10240x32xf32, #tpu.memory_space<vmem_shared>>) dst(%dma_wait3A_40 : memref<128x32xf32, #tpu.memory_space<vmem>>)
        tpu.yield
      }) : () -> ()
      %run_scoped3A_27 = arith.constant 6 : i32
      "tpu.region"() ({
        %run_scoped3A_30 = tpu.sem_alloc : memref<!tpu.dma_semaphore, #tpu.memory_space<semaphore_mem>>
        %dma_start3A = arith.constant 768 : i32
        %dma_start3A_31 = arith.constant 0 : i32
        %dma_start3A_32 = tpu.memref_slice %arg9[%dma_start3A, %dma_start3A_31] : memref<1024x32xf32, #tpu.memory_space<vmem>> -> memref<128x32xf32, #tpu.memory_space<vmem>>
        %dma_start3A_33 = arith.constant 0 : i32
        %dma_start3A_34 = tpu.memref_slice %arg8[%run_scoped3A_27, %dma_start3A_33] : memref<8x128xi32, #tpu.memory_space<vmem>> -> memref<1x128xi32, #tpu.memory_space<vmem>>
        %dma_start3A_35 = tpu.memref_squeeze %dma_start3A_34 : memref<1x128xi32, #tpu.memory_space<vmem>> -> memref<128xi32, #tpu.memory_space<vmem>>
        %dma_start3A_36 = arith.constant 0 : i32
        %dma_start3A_37 = arith.constant 0 : i32
        %dma_start3A_38 = tpu.memref_slice %arg12[%dma_start3A_36, %dma_start3A_37] : memref<10240x32xf32, #tpu.memory_space<vmem_shared>> -> memref<10240x32xf32, #tpu.memory_space<vmem_shared>>
        tpu.enqueue_indirect_dma source(%dma_start3A_32 : memref<128x32xf32, #tpu.memory_space<vmem>>) target(%dma_start3A_38 : memref<10240x32xf32, #tpu.memory_space<vmem_shared>>) offsets(%dma_start3A_35 : memref<128xi32, #tpu.memory_space<vmem>>) semaphore(%run_scoped3A_30 : memref<!tpu.dma_semaphore, #tpu.memory_space<semaphore_mem>>) {add = true}
        %dma_wait3A = arith.constant 768 : i32
        %dma_wait3A_39 = arith.constant 0 : i32
        %dma_wait3A_40 = tpu.memref_slice %arg9[%dma_wait3A, %dma_wait3A_39] : memref<1024x32xf32, #tpu.memory_space<vmem>> -> memref<128x32xf32, #tpu.memory_space<vmem>>
        %dma_wait3A_41 = arith.constant 0 : i32
        %dma_wait3A_42 = tpu.memref_slice %arg8[%run_scoped3A_27, %dma_wait3A_41] : memref<8x128xi32, #tpu.memory_space<vmem>> -> memref<1x128xi32, #tpu.memory_space<vmem>>
        %dma_wait3A_43 = tpu.memref_squeeze %dma_wait3A_42 : memref<1x128xi32, #tpu.memory_space<vmem>> -> memref<128xi32, #tpu.memory_space<vmem>>
        %dma_wait3A_44 = arith.constant 0 : i32
        %dma_wait3A_45 = arith.constant 0 : i32
        %dma_wait3A_46 = tpu.memref_slice %arg12[%dma_wait3A_44, %dma_wait3A_45] : memref<10240x32xf32, #tpu.memory_space<vmem_shared>> -> memref<10240x32xf32, #tpu.memory_space<vmem_shared>>
        tpu.wait_indirect_dma semaphore(%run_scoped3A_30 : memref<!tpu.dma_semaphore, #tpu.memory_space<semaphore_mem>>) src(%dma_wait3A_40 : memref<128x32xf32, #tpu.memory_space<vmem>>) dst(%dma_wait3A_46 : memref<10240x32xf32, #tpu.memory_space<vmem_shared>>)
        tpu.yield
      }) : () -> ()
      %run_scoped3A_28 = arith.constant 7 : i32
      "tpu.region"() ({
        %run_scoped3A_30 = tpu.sem_alloc : memref<!tpu.dma_semaphore, #tpu.memory_space<semaphore_mem>>
        %dma_start3A = arith.constant 896 : i32
        %dma_start3A_31 = arith.constant 0 : i32
        %dma_start3A_32 = tpu.memref_slice %arg9[%dma_start3A, %dma_start3A_31] : memref<1024x32xf32, #tpu.memory_space<vmem>> -> memref<128x32xf32, #tpu.memory_space<vmem>>
        %dma_start3A_33 = arith.constant 0 : i32
        %dma_start3A_34 = tpu.memref_slice %arg7[%run_scoped3A_28, %dma_start3A_33] : memref<8x128xi32, #tpu.memory_space<vmem>> -> memref<1x128xi32, #tpu.memory_space<vmem>>
        %dma_start3A_35 = tpu.memref_squeeze %dma_start3A_34 : memref<1x128xi32, #tpu.memory_space<vmem>> -> memref<128xi32, #tpu.memory_space<vmem>>
        %dma_start3A_36 = arith.constant 0 : i32
        %dma_start3A_37 = arith.constant 0 : i32
        %dma_start3A_38 = tpu.memref_slice %arg11[%dma_start3A_36, %dma_start3A_37] : memref<10240x32xf32, #tpu.memory_space<vmem_shared>> -> memref<10240x32xf32, #tpu.memory_space<vmem_shared>>
        tpu.enqueue_indirect_dma source(%dma_start3A_38 : memref<10240x32xf32, #tpu.memory_space<vmem_shared>>) target(%dma_start3A_32 : memref<128x32xf32, #tpu.memory_space<vmem>>) offsets(%dma_start3A_35 : memref<128xi32, #tpu.memory_space<vmem>>) semaphore(%run_scoped3A_30 : memref<!tpu.dma_semaphore, #tpu.memory_space<semaphore_mem>>)
        %dma_wait3A = arith.constant 896 : i32
        %dma_wait3A_39 = arith.constant 0 : i32
        %dma_wait3A_40 = tpu.memref_slice %arg9[%dma_wait3A, %dma_wait3A_39] : memref<1024x32xf32, #tpu.memory_space<vmem>> -> memref<128x32xf32, #tpu.memory_space<vmem>>
        %dma_wait3A_41 = arith.constant 0 : i32
        %dma_wait3A_42 = tpu.memref_slice %arg7[%run_scoped3A_28, %dma_wait3A_41] : memref<8x128xi32, #tpu.memory_space<vmem>> -> memref<1x128xi32, #tpu.memory_space<vmem>>
        %dma_wait3A_43 = tpu.memref_squeeze %dma_wait3A_42 : memref<1x128xi32, #tpu.memory_space<vmem>> -> memref<128xi32, #tpu.memory_space<vmem>>
        %dma_wait3A_44 = arith.constant 0 : i32
        %dma_wait3A_45 = arith.constant 0 : i32
        %dma_wait3A_46 = tpu.memref_slice %arg11[%dma_wait3A_44, %dma_wait3A_45] : memref<10240x32xf32, #tpu.memory_space<vmem_shared>> -> memref<10240x32xf32, #tpu.memory_space<vmem_shared>>
        tpu.wait_indirect_dma semaphore(%run_scoped3A_30 : memref<!tpu.dma_semaphore, #tpu.memory_space<semaphore_mem>>) src(%dma_wait3A_46 : memref<10240x32xf32, #tpu.memory_space<vmem_shared>>) dst(%dma_wait3A_40 : memref<128x32xf32, #tpu.memory_space<vmem>>)
        tpu.yield
      }) : () -> ()
      %run_scoped3A_29 = arith.constant 7 : i32
      "tpu.region"() ({
        %run_scoped3A_30 = tpu.sem_alloc : memref<!tpu.dma_semaphore, #tpu.memory_space<semaphore_mem>>
        %dma_start3A = arith.constant 896 : i32
        %dma_start3A_31 = arith.constant 0 : i32
        %dma_start3A_32 = tpu.memref_slice %arg9[%dma_start3A, %dma_start3A_31] : memref<1024x32xf32, #tpu.memory_space<vmem>> -> memref<128x32xf32, #tpu.memory_space<vmem>>
        %dma_start3A_33 = arith.constant 0 : i32
        %dma_start3A_34 = tpu.memref_slice %arg8[%run_scoped3A_29, %dma_start3A_33] : memref<8x128xi32, #tpu.memory_space<vmem>> -> memref<1x128xi32, #tpu.memory_space<vmem>>
        %dma_start3A_35 = tpu.memref_squeeze %dma_start3A_34 : memref<1x128xi32, #tpu.memory_space<vmem>> -> memref<128xi32, #tpu.memory_space<vmem>>
        %dma_start3A_36 = arith.constant 0 : i32
        %dma_start3A_37 = arith.constant 0 : i32
        %dma_start3A_38 = tpu.memref_slice %arg12[%dma_start3A_36, %dma_start3A_37] : memref<10240x32xf32, #tpu.memory_space<vmem_shared>> -> memref<10240x32xf32, #tpu.memory_space<vmem_shared>>
        tpu.enqueue_indirect_dma source(%dma_start3A_32 : memref<128x32xf32, #tpu.memory_space<vmem>>) target(%dma_start3A_38 : memref<10240x32xf32, #tpu.memory_space<vmem_shared>>) offsets(%dma_start3A_35 : memref<128xi32, #tpu.memory_space<vmem>>) semaphore(%run_scoped3A_30 : memref<!tpu.dma_semaphore, #tpu.memory_space<semaphore_mem>>) {add = true}
        %dma_wait3A = arith.constant 896 : i32
        %dma_wait3A_39 = arith.constant 0 : i32
        %dma_wait3A_40 = tpu.memref_slice %arg9[%dma_wait3A, %dma_wait3A_39] : memref<1024x32xf32, #tpu.memory_space<vmem>> -> memref<128x32xf32, #tpu.memory_space<vmem>>
        %dma_wait3A_41 = arith.constant 0 : i32
        %dma_wait3A_42 = tpu.memref_slice %arg8[%run_scoped3A_29, %dma_wait3A_41] : memref<8x128xi32, #tpu.memory_space<vmem>> -> memref<1x128xi32, #tpu.memory_space<vmem>>
        %dma_wait3A_43 = tpu.memref_squeeze %dma_wait3A_42 : memref<1x128xi32, #tpu.memory_space<vmem>> -> memref<128xi32, #tpu.memory_space<vmem>>
        %dma_wait3A_44 = arith.constant 0 : i32
        %dma_wait3A_45 = arith.constant 0 : i32
        %dma_wait3A_46 = tpu.memref_slice %arg12[%dma_wait3A_44, %dma_wait3A_45] : memref<10240x32xf32, #tpu.memory_space<vmem_shared>> -> memref<10240x32xf32, #tpu.memory_space<vmem_shared>>
        tpu.wait_indirect_dma semaphore(%run_scoped3A_30 : memref<!tpu.dma_semaphore, #tpu.memory_space<semaphore_mem>>) src(%dma_wait3A_40 : memref<128x32xf32, #tpu.memory_space<vmem>>) dst(%dma_wait3A_46 : memref<10240x32xf32, #tpu.memory_space<vmem_shared>>)
        tpu.yield
      }) : () -> ()
    }
    %scan3A_9 = arith.constant 10 : i32
    %barrier3A_10 = arith.constant 0 : index
    tpu.barrier barrier_id(%barrier3A_10)
    "tpu.region"() ({
      %run_scoped3A = tpu.sem_alloc : memref<!tpu.dma_semaphore, #tpu.memory_space<semaphore_mem>>
      %dma_start3A = arith.constant 0 : i32
      %dma_start3A_11 = tpu.memref_slice %arg12[%mul3A_2, %dma_start3A] : memref<10240x32xf32, #tpu.memory_space<vmem_shared>> -> memref<640x32xf32, #tpu.memory_space<vmem_shared>>
      %dma_start3A_12 = arith.constant 0 : i32
      %dma_start3A_13 = tpu.memref_slice %arg12[%mul3A_2, %dma_start3A_12] : memref<10240x32xf32, #tpu.memory_space<vmem_shared>> -> memref<640x32xf32, #tpu.memory_space<vmem_shared>>
      tpu.enqueue_dma source(%dma_start3A_13 : memref<640x32xf32, #tpu.memory_space<vmem_shared>>) target(%arg10 : memref<640x32xf32, #tpu.memory_space<vmem>>) target_semaphore(%run_scoped3A : memref<!tpu.dma_semaphore, #tpu.memory_space<semaphore_mem>>)
      %dma_wait3A = arith.constant 0 : i32
      %dma_wait3A_14 = tpu.memref_slice %arg12[%mul3A_2, %dma_wait3A] : memref<10240x32xf32, #tpu.memory_space<vmem_shared>> -> memref<640x32xf32, #tpu.memory_space<vmem_shared>>
      %dma_wait3A_15 = arith.constant 0 : i32
      %dma_wait3A_16 = tpu.memref_slice %arg12[%mul3A_2, %dma_wait3A_15] : memref<10240x32xf32, #tpu.memory_space<vmem_shared>> -> memref<640x32xf32, #tpu.memory_space<vmem_shared>>
      tpu.wait_dma2 semaphore(%run_scoped3A : memref<!tpu.dma_semaphore, #tpu.memory_space<semaphore_mem>>) src(%dma_wait3A_16 : memref<640x32xf32, #tpu.memory_space<vmem_shared>>) dst(%arg10 : memref<640x32xf32, #tpu.memory_space<vmem>>)
      tpu.yield
    }) : () -> ()
    "tpu.region"() ({
      %run_scoped3A = tpu.sem_alloc : memref<!tpu.dma_semaphore, #tpu.memory_space<semaphore_mem>>
      %dma_start3A = arith.constant 0 : i32
      %dma_start3A_11 = tpu.memref_slice %arg6[%arg0, %mul3A_2, %dma_start3A] : memref<2x10240x32xf32, #tpu.memory_space<hbm>> -> memref<1x640x32xf32, #tpu.memory_space<hbm>>
      %dma_start3A_12 = tpu.memref_squeeze %dma_start3A_11 : memref<1x640x32xf32, #tpu.memory_space<hbm>> -> memref<640x32xf32, #tpu.memory_space<hbm>>
      %dma_start3A_13 = arith.constant 0 : i32
      %dma_start3A_14 = tpu.memref_slice %arg6[%arg0, %mul3A_2, %dma_start3A_13] : memref<2x10240x32xf32, #tpu.memory_space<hbm>> -> memref<1x640x32xf32, #tpu.memory_space<hbm>>
      %dma_start3A_15 = tpu.memref_squeeze %dma_start3A_14 : memref<1x640x32xf32, #tpu.memory_space<hbm>> -> memref<640x32xf32, #tpu.memory_space<hbm>>
      tpu.enqueue_dma source(%arg10 : memref<640x32xf32, #tpu.memory_space<vmem>>) target(%dma_start3A_15 : memref<640x32xf32, #tpu.memory_space<hbm>>) target_semaphore(%run_scoped3A : memref<!tpu.dma_semaphore, #tpu.memory_space<semaphore_mem>>)
      %dma_wait3A = arith.constant 0 : i32
      %dma_wait3A_16 = tpu.memref_slice %arg6[%arg0, %mul3A_2, %dma_wait3A] : memref<2x10240x32xf32, #tpu.memory_space<hbm>> -> memref<1x640x32xf32, #tpu.memory_space<hbm>>
      %dma_wait3A_17 = tpu.memref_squeeze %dma_wait3A_16 : memref<1x640x32xf32, #tpu.memory_space<hbm>> -> memref<640x32xf32, #tpu.memory_space<hbm>>
      %dma_wait3A_18 = arith.constant 0 : i32
      %dma_wait3A_19 = tpu.memref_slice %arg6[%arg0, %mul3A_2, %dma_wait3A_18] : memref<2x10240x32xf32, #tpu.memory_space<hbm>> -> memref<1x640x32xf32, #tpu.memory_space<hbm>>
      %dma_wait3A_20 = tpu.memref_squeeze %dma_wait3A_19 : memref<1x640x32xf32, #tpu.memory_space<hbm>> -> memref<640x32xf32, #tpu.memory_space<hbm>>
      tpu.wait_dma2 semaphore(%run_scoped3A : memref<!tpu.dma_semaphore, #tpu.memory_space<semaphore_mem>>) src(%arg10 : memref<640x32xf32, #tpu.memory_space<vmem>>) dst(%dma_wait3A_20 : memref<640x32xf32, #tpu.memory_space<hbm>>)
      tpu.yield
    }) : () -> ()
    return
  }
}

module attributes {stable_mosaic.version = 14 : i64} {
  func.func @body(%arg0: i32, %arg1: memref<1024x128xf32, #tpu.memory_space<vmem>>, %arg2: memref<128x32xf32, #tpu.memory_space<vmem>>, %arg3: memref<1024x2xf32, #tpu.memory_space<vmem>>, %arg4: memref<1024x32xf32, #tpu.memory_space<vmem>>, %arg5: memref<1024x1xf32, #tpu.memory_space<vmem>>) attributes {dimension_semantics = [#tpu.dimension_semantics<arbitrary>], iteration_bounds = array<i64: 10>, scalar_prefetch = 0 : i64, scratch_operands = 0 : i64, tpu.core_type = #tpu.core_type<tc>, window_params = [{transform_indices = @transform_0, window_bounds = array<i64: 1024, 128>}, {pipeline_mode = #tpu.pipeline_mode<synchronous>, transform_indices = @transform_1, window_bounds = array<i64: 128, 32>}, {transform_indices = @transform_2, window_bounds = array<i64: 1024, 2>}, {transform_indices = @transform_3, window_bounds = array<i64: 1024, 32>}, {transform_indices = @transform_4, window_bounds = array<i64: 1024, 1>}]} {
    %get3A = arith.constant 0 : index
    %get3A_0 = arith.constant 0 : index
    %get3A_1 = vector.load %arg3[%get3A, %get3A_0] : memref<1024x2xf32, #tpu.memory_space<vmem>>, vector<1024x1xf32>
    %add3A = arith.constant 1.000000e+00 : f32
    %add3A_2 = vector.broadcast %add3A : f32 to vector<1024x1xf32>
    %add3A_3 = arith.addf %add3A_2, %get3A_1 : vector<1024x1xf32>
    %get3A_4 = arith.constant 0 : index
    %get3A_5 = arith.constant 1 : index
    %get3A_6 = vector.load %arg3[%get3A_4, %get3A_5] : memref<1024x2xf32, #tpu.memory_space<vmem>>, vector<1024x1xf32>
    %add3A_7 = arith.addf %add3A_3, %get3A_6 : vector<1024x1xf32>
    %rsqrt3A = math.rsqrt %add3A_7 : vector<1024x1xf32>
    %get3A_8 = arith.constant 0 : index
    %get3A_9 = arith.constant 0 : index
    %get3A_10 = vector.load %arg1[%get3A_8, %get3A_9] : memref<1024x128xf32, #tpu.memory_space<vmem>>, vector<1024x128xf32>
    %get3A_11 = arith.constant 0 : index
    %get3A_12 = arith.constant 0 : index
    %get3A_13 = vector.load %arg2[%get3A_11, %get3A_12] : memref<128x32xf32, #tpu.memory_space<vmem>>, vector<128x32xf32>
    %dot_general3A = arith.constant dense<0.000000e+00> : vector<1024x32xf32>
    %dot_general3A_14 = tpu.matmul %get3A_10, %get3A_13, %dot_general3A {dimension_numbers = #tpu.dot_dimension_numbers<[1], [0], [0], [1], [0, 0, 1, 1], [], []>, transpose_lhs_hint = false} : vector<1024x128xf32>, vector<128x32xf32>, vector<1024x32xf32> -> vector<1024x32xf32>
    %mul3A = arith.constant 1024 : i32
    %mul3A_15 = arith.muli %arg0, %mul3A : i32
    %iota3A = tpu.iota {dimensions = array<i32: 0>} : vector<1024x1xi32>
    %add3A_16 = vector.broadcast %mul3A_15 : i32 to vector<1024x1xi32>
    %add3A_17 = arith.addi %add3A_16, %iota3A : vector<1024x1xi32>
    %lt3A = arith.constant 10000 : i32
    %lt3A_18 = vector.broadcast %lt3A : i32 to vector<1024x1xi32>
    %lt3A_19 = arith.cmpi slt, %add3A_17, %lt3A_18 : vector<1024x1xi32>
    %mul3A_20 = vector.broadcast %rsqrt3A : vector<1024x1xf32> to vector<1024x32xf32>
    %mul3A_21 = arith.mulf %dot_general3A_14, %mul3A_20 : vector<1024x32xf32>
    %jit3A = arith.constant 0.000000e+00 : f32
    %broadcast_in_dim3A = vector.shape_cast %lt3A_19 : vector<1024x1xi1> to vector<1024x1xi1>
    %broadcast_in_dim3A_22 = vector.broadcast %broadcast_in_dim3A : vector<1024x1xi1> to vector<1024x32xi1>
    %broadcast_in_dim3A_23 = vector.broadcast %jit3A : f32 to vector<1024x32xf32>
    %select_n3A = arith.select %broadcast_in_dim3A_22, %mul3A_21, %broadcast_in_dim3A_23 : vector<1024x32xi1>, vector<1024x32xf32>
    %swap3A = arith.constant 0 : index
    %swap3A_24 = arith.constant 0 : index
    %swap3A_25 = vector.load %arg4[%swap3A, %swap3A_24] : memref<1024x32xf32, #tpu.memory_space<vmem>>, vector<1024x32xf32>
    tpu.vector_store %arg4[%swap3A, %swap3A_24], %select_n3A {strides = array<i32>} : memref<1024x32xf32, #tpu.memory_space<vmem>>, vector<1024x32xf32>,
    %swap3A_26 = arith.constant 0 : index
    %swap3A_27 = arith.constant 0 : index
    %swap3A_28 = vector.load %arg5[%swap3A_26, %swap3A_27] : memref<1024x1xf32, #tpu.memory_space<vmem>>, vector<1024x1xf32>
    tpu.vector_store %arg5[%swap3A_26, %swap3A_27], %rsqrt3A {strides = array<i32>} : memref<1024x1xf32, #tpu.memory_space<vmem>>, vector<1024x1xf32>,
    return
  }
  func.func @transform_0(%arg0: i32) -> (i32, i32) {
    %c0_i32 = arith.constant 0 : i32
    %c0_i32_0 = arith.constant 0 : i32
    return %arg0, %c0_i32 : i32, i32
  }
  func.func @transform_1(%arg0: i32) -> (i32, i32) {
    %c0_i32 = arith.constant 0 : i32
    %c0_i32_0 = arith.constant 0 : i32
    %c0_i32_1 = arith.constant 0 : i32
    return %c0_i32, %c0_i32_0 : i32, i32
  }
  func.func @transform_2(%arg0: i32) -> (i32, i32) {
    %c0_i32 = arith.constant 0 : i32
    %c0_i32_0 = arith.constant 0 : i32
    return %arg0, %c0_i32 : i32, i32
  }
  func.func @transform_3(%arg0: i32) -> (i32, i32) {
    %c0_i32 = arith.constant 0 : i32
    %c0_i32_0 = arith.constant 0 : i32
    return %arg0, %c0_i32 : i32, i32
  }
  func.func @transform_4(%arg0: i32) -> (i32, i32) {
    %c0_i32 = arith.constant 0 : i32
    %c0_i32_0 = arith.constant 0 : i32
    return %arg0, %c0_i32 : i32, i32
  }
}

module attributes {stable_mosaic.version = 14 : i64} {
  func.func @body(%arg0: i32, %arg1: memref<2x1024x32xf32, #tpu.memory_space<vmem>>, %arg2: memref<1024x32xf32, #tpu.memory_space<vmem>>, %arg3: memref<1024x1xf32, #tpu.memory_space<vmem>>, %arg4: memref<1x32xf32, #tpu.memory_space<vmem>>, %arg5: memref<1024x10xf32, #tpu.memory_space<vmem>>, %arg6: memref<1024x10xf32, #tpu.memory_space<vmem>>) attributes {dimension_semantics = [#tpu.dimension_semantics<arbitrary>], iteration_bounds = array<i64: 10>, scalar_prefetch = 0 : i64, scratch_operands = 0 : i64, tpu.core_type = #tpu.core_type<tc>, window_params = [{transform_indices = @transform_0, window_bounds = array<i64: 2, 1024, 32>}, {transform_indices = @transform_1, window_bounds = array<i64: 1024, 32>}, {transform_indices = @transform_2, window_bounds = array<i64: 1024, 1>}, {pipeline_mode = #tpu.pipeline_mode<synchronous>, transform_indices = @transform_3, window_bounds = array<i64: 1, 32>}, {transform_indices = @transform_4, window_bounds = array<i64: 1024, 10>}, {transform_indices = @transform_5, window_bounds = array<i64: 1024, 10>}]} {
    %get3A = arith.constant 0 : index
    %get3A_0 = arith.constant 0 : index
    %get3A_1 = vector.load %arg3[%get3A, %get3A_0] : memref<1024x1xf32, #tpu.memory_space<vmem>>, vector<1024x1xf32>
    %get3A_2 = arith.constant 0 : index
    %get3A_3 = arith.constant 0 : index
    %get3A_4 = arith.constant 0 : index
    %get3A_5 = vector.load %arg1[%get3A_2, %get3A_3, %get3A_4] : memref<2x1024x32xf32, #tpu.memory_space<vmem>>, vector<1x1024x32xf32>
    %get3A_6 = vector.shape_cast %get3A_5 : vector<1x1024x32xf32> to vector<1024x32xf32>
    %get3A_7 = arith.constant 1 : index
    %get3A_8 = arith.constant 0 : index
    %get3A_9 = arith.constant 0 : index
    %get3A_10 = vector.load %arg1[%get3A_7, %get3A_8, %get3A_9] : memref<2x1024x32xf32, #tpu.memory_space<vmem>>, vector<1x1024x32xf32>
    %get3A_11 = vector.shape_cast %get3A_10 : vector<1x1024x32xf32> to vector<1024x32xf32>
    %add3A = arith.addf %get3A_6, %get3A_11 : vector<1024x32xf32>
    %get3A_12 = arith.constant 0 : index
    %get3A_13 = arith.constant 0 : index
    %get3A_14 = vector.load %arg2[%get3A_12, %get3A_13] : memref<1024x32xf32, #tpu.memory_space<vmem>>, vector<1024x32xf32>
    %add3A_15 = arith.addf %add3A, %get3A_14 : vector<1024x32xf32>
    %mul3A = vector.broadcast %get3A_1 : vector<1024x1xf32> to vector<1024x32xf32>
    %mul3A_16 = arith.mulf %mul3A, %add3A_15 : vector<1024x32xf32>
    %get3A_17 = arith.constant 0 : index
    %get3A_18 = arith.constant 0 : index
    %get3A_19 = vector.load %arg4[%get3A_17, %get3A_18] : memref<1x32xf32, #tpu.memory_space<vmem>>, vector<1x32xf32>
    %add3A_20 = vector.broadcast %get3A_19 : vector<1x32xf32> to vector<1024x32xf32>
    %add3A_21 = arith.addf %mul3A_16, %add3A_20 : vector<1024x32xf32>
    %slice3A = vector.extract_strided_slice %add3A_21 {offsets = [0, 0], sizes = [1024, 10], strides = [1, 1]} : vector<1024x32xf32> to vector<1024x10xf32>
    %swap3A = arith.constant 0 : index
    %swap3A_22 = arith.constant 0 : index
    %swap3A_23 = vector.load %arg5[%swap3A, %swap3A_22] : memref<1024x10xf32, #tpu.memory_space<vmem>>, vector<1024x10xf32>
    tpu.vector_store %arg5[%swap3A, %swap3A_22], %slice3A {strides = array<i32>} : memref<1024x10xf32, #tpu.memory_space<vmem>>, vector<1024x10xf32>,
    %slice3A_24 = vector.extract_strided_slice %add3A_21 {offsets = [0, 10], sizes = [1024, 10], strides = [1, 1]} : vector<1024x32xf32> to vector<1024x10xf32>
    %swap3A_25 = arith.constant 0 : index
    %swap3A_26 = arith.constant 0 : index
    %swap3A_27 = vector.load %arg6[%swap3A_25, %swap3A_26] : memref<1024x10xf32, #tpu.memory_space<vmem>>, vector<1024x10xf32>
    tpu.vector_store %arg6[%swap3A_25, %swap3A_26], %slice3A_24 {strides = array<i32>} : memref<1024x10xf32, #tpu.memory_space<vmem>>, vector<1024x10xf32>,
    return
  }
  func.func @transform_0(%arg0: i32) -> (i32, i32, i32) {
    %c0_i32 = arith.constant 0 : i32
    %c0_i32_0 = arith.constant 0 : i32
    %c0_i32_1 = arith.constant 0 : i32
    return %c0_i32, %arg0, %c0_i32_0 : i32, i32, i32
  }
  func.func @transform_1(%arg0: i32) -> (i32, i32) {
    %c0_i32 = arith.constant 0 : i32
    %c0_i32_0 = arith.constant 0 : i32
    return %arg0, %c0_i32 : i32, i32
  }
  func.func @transform_2(%arg0: i32) -> (i32, i32) {
    %c0_i32 = arith.constant 0 : i32
    %c0_i32_0 = arith.constant 0 : i32
    return %arg0, %c0_i32 : i32, i32
  }
  func.func @transform_3(%arg0: i32) -> (i32, i32) {
    %c0_i32 = arith.constant 0 : i32
    %c0_i32_0 = arith.constant 0 : i32
    %c0_i32_1 = arith.constant 0 : i32
    return %c0_i32, %c0_i32_0 : i32, i32
  }
  func.func @transform_4(%arg0: i32) -> (i32, i32) {
    %c0_i32 = arith.constant 0 : i32
    %c0_i32_0 = arith.constant 0 : i32
    return %arg0, %c0_i32 : i32, i32
  }
  func.func @transform_5(%arg0: i32) -> (i32, i32) {
    %c0_i32 = arith.constant 0 : i32
    %c0_i32_0 = arith.constant 0 : i32
    return %arg0, %c0_i32 : i32, i32
  }
}

</mosaic_0001>

<sc_bundles>
// kernel: kernel.6.cloned.1.call-start
scs
__scs_entry_jumppad:
0x0: {  	(pc) =	sbr.rel $0x88, $3  }
0x1: {  	(tag) =	ssettag $0x0;
	lr =	simm.s32 $0x1  }
0x2: {  	[smem:$0x3F9B] =	sst lr;
	_ =	strace $0xD0000000  }
0x3: {  	_ = 	snop  }
0x4: {  	_ = 	snop  }
0x5: {  	_ = 	snop  }
0x6: {  	_ = 	snop  }
0x7: {  	_ = 	snop  }
__scs_overlays_trampoline_lowered:
0x8: {  	[smem:$0x3FAA] =	sst s0  }
0x9: {  	[smem:$0x3FAB] =	sst s1  }
0xa: {  	[smem:$0x3FAC] =	sst s2  }
0xb: {  	[smem:$0x3FAD] =	sst s3  }
0xc: {  	[smem:$0x3FAE] =	sst s4  }
0xd: {  	[smem:$0x3FAF] =	sst s5  }
0xe: {  	[smem:$0x3FB0] =	sst s6  }
0xf: {  	[smem:$0x3FB1] =	sst s7  }
0x10: {  	[smem:$0x3FB2] =	sst s8  }
0x11: {  	[smem:$0x3FB3] =	sst s9;
	s0 =	simm.s32 @!p0 $0x0  }
0x12: {  	s1 =	sld [smem:$0x3F99];
	s0 =	simm.s32 @p0 $0x1  }
0x13: {  	[smem:$0x3FB4] =	sst s0;
	s0 =	simm.s32 @!p1 $0x0  }
0x14: {  	s2 =	sld [smem:$0x3F98];
	s0 =	simm.s32 @p1 $0x1  }
0x15: {  	[smem:$0x3FB5] =	sst s0;
	s0 =	simm.s32 @!p2 $0x0  }
0x16: {  	s3 =	sld [smem:$0x3FDB];
	s0 =	simm.s32 @p2 $0x1  }
0x17: {  	s4 =	simm.s32 $0x1BF5;
	[smem:$0x3FB7] =	sst s0  }
0x18: {  	s0 =	sld [smem:$0x3F9A];
	_ =	swait.ge [sflag:s4], $0x0  }
0x19: {  	s7 =	sld [smem:$0x3F9B]  }
0x1a: {  	s8 =	sadd.s32 $0xFFFFE003, lr  }
0x1b: {  	s9 =	sadd.s32 $0xFFFFFEF7, lr;
	s5 =	simm.s32 $0xFFFFFFFF;
	p2 =	slt.u32 s8, $0xFFFFF086  }
0x1c: {  	p1 =	slt.u32 s9, $0xF7A;
	s5 =	simm.s32 @!p2 $0x0  }
0x1d: {  	s5 =	simm.s32 @p1 $0x1;
	p0 =	seq.s32 s7, s2  }
0x1e: {  	s7 =	smul.u32 @!p0 $0xF7A, s2;
	p2 =	seq.s32 @!p0 s5, $0x0  }
0x1f: {  	s9 =	smul.u32 $0xF7A, s1;
	s8 =	simm.s32 @!p0 $0x1BF5;
	p2 =	por !p2, p0  }
0x20: {  	[sflag:s8] =	ssyncset.s32 @!p0 $0xFFFFF086;
	s6 =	sadd.s32 @!p0 s3, s7;
	s7 =	simm.s32 @!p0 $0x108  }
0x21: {  	s3 =	sadd.s32 s3, s9;
	s6 =	sadd.s32 @!p0 $0x88, s6;
	s7 =	simm.s32 @p2 $0x1082  }
0x22: {  	[simem:s7], [sflag:s8] =	dma.local @!p0 [hbm:s6], $0xF7A  }
0x23: {  	s9 =	sor.u32 $0xD0000000, s2;
	s6 =	simm.s32 $0x108;
	_ =	swait.ge @!p0 [sflag:s8], $0x0  }
0x24: {  	s3 =	sadd.s32 $0x88, s3;
	s6 =	simm.s32 @!p1 $0x1082;
	[sflag:s4] =	ssyncset.s32 $0xFFFFF086  }
0x25: {  	[simem:s6], [sflag:s4] =	dma.local [hbm:s3], $0xF7A  }
0x26: {  	[smem:$0x3F9B] =	sst s1;
	(tag) =	ssettag s2;
	_ =	strace s9  }
0x27: {  	s1 =	sld [smem:$0x3FAB]  }
0x28: {  	s2 =	sld [smem:$0x3FAC]  }
0x29: {  	s4 =	sld [smem:$0x3FAE]  }
0x2a: {  	p0 =	seq.s32 s5, $0x0;
	s5 =	sld [smem:$0x3FAF]  }
0x2b: {  	s6 =	sld [smem:$0x3FB0]  }
0x2c: {  	s7 =	sld [smem:$0x3FB1]  }
0x2d: {  	s3 =	simm.s32 $0x108;
	s8 =	sld [smem:$0x3FB2]  }
0x2e: {  	s3 =	simm.s32 @!p0 $0x1082;
	s9 =	sld [smem:$0x3FB3]  }
0x2f: {  	lr =	sadd.s32 s0, s3;
	s0 =	sld [smem:$0x3FAA]  }
0x30: {  	s3 =	sld [smem:$0x3FAD]  }
0x31: {  	[smem:$0x3FB6] =	sst s10  }
0x32: {  	s10 =	sld [smem:$0x3FB4];
	_ =	sdelay $0x3  }
0x33: {  	p0 =	seq.s32 s10, $0x1;
	s10 =	sld [smem:$0x3FB6];
	_ =	sdelay $0x3  }
0x34: {  	[smem:$0x3FB6] =	sst s10  }
0x35: {  	s10 =	sld [smem:$0x3FB5];
	_ =	sdelay $0x3  }
0x36: {  	p1 =	seq.s32 s10, $0x1;
	s10 =	sld [smem:$0x3FB6];
	_ =	sdelay $0x3  }
0x37: {  	[smem:$0x3FB6] =	sst s10  }
0x38: {  	s10 =	sld [smem:$0x3FB7]  }
0x39: {  	_ = 	snop;
	(pc) =	sbr.ind lr, $3  }
0x3a: {  	_ = 	snop  }
0x3b: {  	_ = 	snop  }
0x3c: {  	p2 =	seq.s32 s10, $0x1;
	s10 =	sld [smem:$0x3FB6]  }
0x3d: {  	_ =	shalt  }
0x3e: {  	_ =	shalt  }
0x3f: {  	_ =	shalt  }
0x40: {  	_ =	shalt  }
0x41: {  	_ =	shalt  }
0x42: {  	_ =	shalt  }
0x43: {  	_ =	shalt  }
0x44: {  	_ =	shalt  }
0x45: {  	_ =	shalt  }
0x46: {  	_ =	shalt  }
0x47: {  	_ =	shalt  }
0x48: {  	_ =	shalt  }
0x49: {  	_ =	shalt  }
0x4a: {  	_ =	shalt  }
0x4b: {  	_ =	shalt  }
0x4c: {  	_ =	shalt  }
0x4d: {  	_ =	shalt  }
0x4e: {  	_ =	shalt  }
0x4f: {  	_ =	shalt  }
0x50: {  	_ =	shalt  }
0x51: {  	_ =	shalt  }
0x52: {  	_ =	shalt  }
0x53: {  	_ =	shalt  }
0x54: {  	_ =	shalt  }
0x55: {  	_ =	shalt  }
0x56: {  	_ =	shalt  }
0x57: {  	_ =	shalt  }
0x58: {  	_ =	shalt  }
0x59: {  	_ =	shalt  }
0x5a: {  	_ =	shalt  }
0x5b: {  	_ =	shalt  }
0x5c: {  	_ =	shalt  }
0x5d: {  	_ =	shalt  }
0x5e: {  	_ =	shalt  }
0x5f: {  	_ =	shalt  }
0x60: {  	_ =	shalt  }
0x61: {  	_ =	shalt  }
0x62: {  	_ =	shalt  }
0x63: {  	_ =	shalt  }
0x64: {  	_ =	shalt  }
0x65: {  	_ =	shalt  }
0x66: {  	_ =	shalt  }
0x67: {  	_ =	shalt  }
0x68: {  	_ =	shalt  }
0x69: {  	_ =	shalt  }
0x6a: {  	_ =	shalt  }
0x6b: {  	_ =	shalt  }
0x6c: {  	_ =	shalt  }
0x6d: {  	_ =	shalt  }
0x6e: {  	_ =	shalt  }
0x6f: {  	_ =	shalt  }
0x70: {  	_ =	shalt  }
0x71: {  	_ =	shalt  }
0x72: {  	_ =	shalt  }
0x73: {  	_ =	shalt  }
0x74: {  	_ =	shalt  }
0x75: {  	_ =	shalt  }
0x76: {  	_ =	shalt  }
0x77: {  	_ =	shalt  }
0x78: {  	_ =	shalt  }
0x79: {  	_ =	shalt  }
0x7a: {  	_ =	shalt  }
0x7b: {  	_ =	shalt  }
0x7c: {  	_ =	shalt  }
0x7d: {  	_ =	shalt  }
0x7e: {  	_ =	shalt  }
0x7f: {  	_ =	shalt  }
0x80: {  	_ =	shalt  }
0x81: {  	_ =	shalt  }
0x82: {  	_ =	shalt  }
0x83: {  	_ =	shalt  }
0x84: {  	_ =	shalt  }
0x85: {  	_ =	shalt  }
0x86: {  	_ =	shalt  }
0x87: {  	_ =	shalt  }
.Lfunc_end0:
.L_simem_size_0:
called_computation_lowered:
.L_overlay_start_0:
0x88: {  	s2 =	sld [smem:$0x3FD9]  }
0x89: {  	s3 =	sld [smem:$0x3FFE];
	_ =	sdelay $0x1  }
0x8a: {  	s1 =	srdreg.scid  }
0x8b: {  	s0 =	sand.u32 $0x1, s1  }
0x8c: {  	s14 =	sshll.u32 s0, $0xA;
	s2 =	sadd.s32 s3, s2  }
0x8d: {  	s2 =	sadd.s32 s2, s14  }
0x8e: {  	[smem:$0x3FC2] =	sst s2  }
0x8f: {  	_ = 	snop  }
0x90: {  	s2 =	sld [smem:$0x3FD0];
	_ =	sdelay $0x2  }
0x91: {  	s15 =	simm.s32 $0xA;
	s4 =	simm.s32 $0x10  }
0x92: {  	[smem:s4], [sflag:s15] =	dma.local [hbm:s2], $0x1  }
0x93: {  	_ =	swait.eq [sflag:s15], $0x1  }
0x94: {  	[sflag:s15] =	ssyncset.done $0x0  }
0x95: {  	s16 =	sld [smem:$0x10];
	[sflag:s15] =	ssyncadd.s32 $0xFFFFFFFF  }
0x96: {  	s17 =	sld [smem:$0x11];
	(tm) =	ssettm $0x1  }
0x97: {  	s18 =	sld [smem:$0x3FFB];
	_ =	sdelay $0x3  }
0x98: {  	_ =	strace s18  }
0x99: {  	s4 =	sld [smem:$0x3FFC];
	_ =	sdelay $0x3  }
0x9a: {  	_ =	strace s4  }
0x9b: {  	s4 =	sld [smem:$0x3FFD];
	_ =	sdelay $0x3  }
0x9c: {  	_ =	strace s4  }
0x9d: {  	_ =	strace $0x8FFFFFFF  }
0x9e: {  	s19 =	sld [smem:$0x3FDB];
	_ =	sdelay $0x1  }
0x9f: {  	s5 =	simm.s32 $_scs_section_size  }
0xa0: {  	s6 =	simm.s32 $_size__tile_overlayer_lowered;
	s7 =	simm.s32 $_tile_overlayer_lowered  }
0xa1: {  	s22 =	simm.s32 $0x1BFF;
	s21 =	sshll.u32 s7, $0x1;
	s4 =	sadd.s32 s5, s19  }
0xa2: {  	s8 =	simm.s32 $0x0;
	s20 =	sshll.u32 s6, $0x1;
	s6 =	sadd.s32 s21, s4  }
0xa3: {  	[timem:s8], [sflag:s22] =	dma.local [hbm:s6], s20  }
0xa4: {  	_ =	swait.ge [sflag:s22], s20  }
0xa5: {  	s5 =	ssub.s32 $0x0, s20;
	[sflag:s22] =	ssyncset.done $0x0  }
0xa6: {  	[sflag:s22] =	ssyncadd.s32 s5;
	_ =	sdelay $0x1  }
0xa7: {  	s23 =	simm.s32 $0x1B8B  }
0xa8: {  	_ =	swait.ge [sflag:s23], $0x1  }
0xa9: {  	[sflag:s23] =	ssyncset.done $0x0  }
0xaa: {  	s25 =	simm.s32 $0x1B8E;
	s24 =	sld [smem:$0x3FFE];
	[sflag:s23] =	ssyncadd.s32 $0xFFFFFFFF  }
0xab: {  	s26 =	simm.s32 $execute0_lowered;
	[smem:$0x3FD2] =	sst s25  }
0xac: {  	s6 =	sshll.u32 s26, $0x1;
	_ =	strace $0x80000046;
	[dreg:$0x1] =	wrdreg $0xFFFFFFFF  }
0xad: {  	s28 =	simm.s32 $_size_execute0_lowered;
	s4 =	sadd.s32 s4, s6;
	[dreg:$0x0] =	wrdreg $0x0  }
0xae: {  	s6 =	sshll.u32 s28, $0x1;
	[dreg:$0x2] =	wrdreg s4  }
0xaf: {  	[dreg:$0x3] =	wrdreg s6  }
0xb0: {  	[dreg:$0x4] =	wrdreg $0xC0  }
0xb1: {  	_ =	task [dreg:s8], $0x5FFFF  }
0xb2: {  	[dreg:$0x1] =	wrdreg $0xFFFFFFFF  }
0xb3: {  	[dreg:$0x0] =	wrdreg $0x60  }
0xb4: {  	[dreg:$0x2] =	wrdreg s24  }
0xb5: {  	[dreg:$0x3] =	wrdreg s16  }
0xb6: {  	[dreg:$0x4] =	wrdreg s17  }
0xb7: {  	[dreg:$0x5] =	wrdreg $0x7000  }
0xb8: {  	[dreg:$0x6] =	wrdreg $0x9  }
0xb9: {  	_ =	task.clear_ibuf [dreg:s8], $0x7FFFF;
	_ =	strace $0x90000046  }
0xba: {  	s29 =	simm.s32 $0x9;
	_ =	strace $0x80000048  }
0xbb: {  	_ =	swait.ge [sflag:s29], $0x1  }
0xbc: {  	[sflag:s29] =	ssyncadd.s32 $0xFFFFFFFF  }
0xbd: {  	_ =	strace $0x90000048  }
0xbe: {  	_ =	sfence  }
0xbf: {  	s30 =	sld [smem:$0x0];
	_ =	sdelay $0x2  }
0xc0: {  	s31 =	sshll.u32 s1, $0xD;
	s1 =	sshrl.u32 s1, $0x2  }
0xc1: {  	s3 =	sand.u32 $0x4000, s31;
	s1 =	sadd.s32 s1, s30  }
0xc2: {  	s0 =	sor.u32 s3, s0;
	s1 =	sshll.u32 s1, $0x11  }
0xc3: {  	s0 =	sor.u32 s1, s0  }
0xc4: {  	s0 =	sadd.s32 $0x8F2B, s0  }
0xc5: {  	[sflag:s0] =	ssyncadd.remote.s32 $0x1  }
0xc6: {  	_ =	sfence.sel $0xFFFF  }
0xc7: {  	[dreg:$0x0] =	wrdreg $0xFFFFFFFF;
	(pc) =	sbr.abs _section_cstart, $3  }
0xc8: {  	[dreg:$0x1] =	wrdreg $0xFFFFFFFF  }
0xc9: {  	_ =	task.clear_ibuf [dreg:s8], $0x2FFFF;
	_ =	strace $0x9FFFFFFF  }
0xca: {  	(tm) =	ssettm $0x7FFFFFFF  }
0xcb: {  	_ =	shalt  }
tec
execute0_lowered:
.L_overlay_start_1:
0x0: {  	(tag) =	ssettag $0x1  }
0x1: {  	s4 =	rddreg [dreg:$0x0]  }
0x2: {  	s5 =	rddreg [dreg:$0x1]  }
0x3: {  	s7 =	rddreg [dreg:$0x2]  }
0x4: {  	s0 =	srdreg.scid;
	s2 =	rddreg [dreg:$0x3]  }
0x5: {  	s1 =	rddreg [dreg:$0x4];
	s3 =	simm.s32 $0x0;
	s13 =	simm.s32 $0x80  }
0x6: {  	s14 =	simm.s32 $0x100;
	s15 =	simm.s32 $0x180;
	s6 =	sand.u32 $0x1, s0  }
0x7: {  	s16 =	simm.s32 $0x200;
	s0 =	stileid.u32;
	s8 =	smul.u32 $0x28000, s6  }
0x8: {  	s17 =	simm.s32 $0x280;
	s18 =	simm.s32 $0x300;
	s9 =	smul.u32 $0x2800, s0  }
0x9: {  	s19 =	simm.s32 $0x380;
	s20 =	simm.s32 $0x0;
	s30 =	smul.u32 $0x280, s0  }
0xa: {  	[smem:$0x7FF] =	sst s3;
	s10 =	smul.u32 $0x2800, s6;
	s6 =	ssub.s32 $0x2, s6  }
0xb: {  	_ =	strace $0x80000047;
	s31 =	sshrl.u32 s6, $0x1;
	s8 =	sadd.s32 s9, s8  }
0xc: {  	s12 =	sshrl.u32 s30, $0x3;
	s10 =	sadd.s32 s30, s10;
	s8 =	sshrl.u32 s8, $0x3  }
0xd: {  	s5 =	sadd.s32 s5, s12;
	s10 =	sshrl.u32 s10, $0x3;
	s12 =	simm.s32 $0x480  }
0xe: {  	s11 =	sadd.s32 s8, s4;
	s4 =	sadd.s32 $0x15600, s4;
	s8 =	ssub.s32 s6, s31  }
0xf: {  	s6 =	sadd.s32 s30, s2;
	s7 =	sadd.s32 s7, s10;
	s10 =	simm.s32 $0x400  }
0x10: {  	s8 =	smax.u32 s8, $0x1;
	s9 =	sadd.s32 $0x1600, s11;
	s11 =	simm.s32 $0x1  }
.LBB2_1:
0x11: {  	[tilespmem:s10], [sflag:$0x1] =	stream.linear.gather [hbm4b:s4+s3], $0x80, $0x38;
	[tilespmem:$0x980] =	vst v63  }
0x12: {  	_ =	swait.ge [sflag:s11], $0x80  }
0x13: {  	[sflag:s11] =	ssyncset.done $0x0  }
0x14: {  	[sflag:s11] =	ssyncadd.s32 $0xFFFFFF80  }
0x15: {  	[tilespmem:s12], [sflag:$0x1] =	stream.linear.gather [hbm4b:s5+s3], $0x280, $0x38;
	[tilespmem:$0x980] =	vst v63  }
0x16: {  	_ =	swait.ge [sflag:s11], $0x280  }
0x17: {  	[sflag:s11] =	ssyncset.done $0x0  }
0x18: {  	[sflag:s11] =	ssyncadd.s32 $0xFFFFFD80  }
0x19: {  	[spmem:s6] =	stream.linear.scatter [tilespmem:s12], [sflag:$0x1], $0x280, $0x38;
	[tilespmem:$0x980] =	vst v63  }
0x1a: {  	_ =	swait.ge [sflag:s11], $0x280  }
0x1b: {  	[sflag:s11] =	ssyncset.done $0x0  }
0x1c: {  	[sflag:s11] =	ssyncadd.s32 $0xFFFFFD80  }
0x1d: {  	s21 =	sadd.s32 $0x0, s9;
	[bflag:$0x0] =	sbarrier.arrive $0xFFFF  }
0x1e: {  	[tilespmem:s3], [sflag:$0x1] =	stream.linear.gather [hbm4b:s21+s3], $0x400, $0x38;
	[tilespmem:$0x980] =	vst v63  }
0x1f: {  	_ =	swait.ge [sflag:s11], $0x400  }
0x20: {  	[sflag:s11] =	ssyncset.done $0x0  }
0x21: {  	[sflag:s11] =	ssyncadd.s32 $0xFFFFFC00  }
0x22: {  	[spmem:s2] =	stream.indirect.scatter.add.f32 [tilespmem:s10], [sflag:$0x1], $0x1, s3, s13, $0xb8;
	[tilespmem:$0x980] =	vst v63  }
0x23: {  	_ =	swait.ge [sflag:s11], $0x80  }
0x24: {  	[sflag:s11] =	ssyncset.done $0x0  }
0x25: {  	[sflag:s11] =	ssyncadd.s32 $0xFFFFFF80  }
0x26: {  	[spmem:s2] =	stream.indirect.scatter.add.f32 [tilespmem:s10], [sflag:$0x1], $0x1, s13, s13, $0xb8;
	[tilespmem:$0x980] =	vst v63  }
0x27: {  	_ =	swait.ge [sflag:s11], $0x80  }
0x28: {  	[sflag:s11] =	ssyncset.done $0x0  }
0x29: {  	[sflag:s11] =	ssyncadd.s32 $0xFFFFFF80  }
0x2a: {  	[spmem:s2] =	stream.indirect.scatter.add.f32 [tilespmem:s10], [sflag:$0x1], $0x1, s14, s13, $0xb8;
	[tilespmem:$0x980] =	vst v63  }
0x2b: {  	_ =	swait.ge [sflag:s11], $0x80  }
0x2c: {  	[sflag:s11] =	ssyncset.done $0x0  }
0x2d: {  	[sflag:s11] =	ssyncadd.s32 $0xFFFFFF80  }
0x2e: {  	[spmem:s2] =	stream.indirect.scatter.add.f32 [tilespmem:s10], [sflag:$0x1], $0x1, s15, s13, $0xb8;
	[tilespmem:$0x980] =	vst v63  }
0x2f: {  	_ =	swait.ge [sflag:s11], $0x80  }
0x30: {  	[sflag:s11] =	ssyncset.done $0x0  }
0x31: {  	[sflag:s11] =	ssyncadd.s32 $0xFFFFFF80  }
0x32: {  	[spmem:s2] =	stream.indirect.scatter.add.f32 [tilespmem:s10], [sflag:$0x1], $0x1, s16, s13, $0xb8;
	[tilespmem:$0x980] =	vst v63  }
0x33: {  	_ =	swait.ge [sflag:s11], $0x80  }
0x34: {  	[sflag:s11] =	ssyncset.done $0x0  }
0x35: {  	[sflag:s11] =	ssyncadd.s32 $0xFFFFFF80  }
0x36: {  	[spmem:s2] =	stream.indirect.scatter.add.f32 [tilespmem:s10], [sflag:$0x1], $0x1, s17, s13, $0xb8;
	[tilespmem:$0x980] =	vst v63  }
0x37: {  	_ =	swait.ge [sflag:s11], $0x80  }
0x38: {  	[sflag:s11] =	ssyncset.done $0x0  }
0x39: {  	[sflag:s11] =	ssyncadd.s32 $0xFFFFFF80  }
0x3a: {  	[spmem:s2] =	stream.indirect.scatter.add.f32 [tilespmem:s10], [sflag:$0x1], $0x1, s18, s13, $0xb8;
	[tilespmem:$0x980] =	vst v63  }
0x3b: {  	_ =	swait.ge [sflag:s11], $0x80  }
0x3c: {  	[sflag:s11] =	ssyncset.done $0x0  }
0x3d: {  	[sflag:s11] =	ssyncadd.s32 $0xFFFFFF80  }
0x3e: {  	[spmem:s2] =	stream.indirect.scatter.add.f32 [tilespmem:s10], [sflag:$0x1], $0x1, s19, s13, $0xb8;
	[tilespmem:$0x980] =	vst v63  }
0x3f: {  	_ =	swait.ge [sflag:s11], $0x80  }
0x40: {  	s23 =	simm.s32 $0x100;
	s21 =	simm.s32 $0x80;
	[sflag:s11] =	ssyncset.done $0x0  }
.LBB2_2:
0x41: {  	s24 =	sadd.s32 s21, s9  }
0x42: {  	[sflag:s11] =	ssyncadd.s32 $0xFFFFFF80;
	s21 =	smov.u32 s23;
	s22 =	sadd.s32 $0x80, s23  }
0x43: {  	[tilespmem:s3], [sflag:$0x1] =	stream.linear.gather [hbm4b:s24+s3], $0x400, $0x38;
	[tilespmem:$0x980] =	vst v63  }
0x44: {  	p0 =	sne.s32 s23, $0x480;
	_ =	swait.ge [sflag:s11], $0x400  }
0x45: {  	[sflag:s11] =	ssyncset.done $0x0  }
0x46: {  	[sflag:s11] =	ssyncadd.s32 $0xFFFFFC00  }
0x47: {  	[spmem:s2] =	stream.indirect.scatter.add.f32 [tilespmem:s10], [sflag:$0x1], $0x1, s3, s13, $0xb8;
	[tilespmem:$0x980] =	vst v63  }
0x48: {  	_ =	swait.ge [sflag:s11], $0x80  }
0x49: {  	[sflag:s11] =	ssyncset.done $0x0  }
0x4a: {  	[sflag:s11] =	ssyncadd.s32 $0xFFFFFF80  }
0x4b: {  	[spmem:s2] =	stream.indirect.scatter.add.f32 [tilespmem:s10], [sflag:$0x1], $0x1, s13, s13, $0xb8;
	[tilespmem:$0x980] =	vst v63  }
0x4c: {  	_ =	swait.ge [sflag:s11], $0x80  }
0x4d: {  	[sflag:s11] =	ssyncset.done $0x0  }
0x4e: {  	[sflag:s11] =	ssyncadd.s32 $0xFFFFFF80  }
0x4f: {  	[spmem:s2] =	stream.indirect.scatter.add.f32 [tilespmem:s10], [sflag:$0x1], $0x1, s14, s13, $0xb8;
	[tilespmem:$0x980] =	vst v63  }
0x50: {  	_ =	swait.ge [sflag:s11], $0x80  }
0x51: {  	[sflag:s11] =	ssyncset.done $0x0  }
0x52: {  	[sflag:s11] =	ssyncadd.s32 $0xFFFFFF80  }
0x53: {  	[spmem:s2] =	stream.indirect.scatter.add.f32 [tilespmem:s10], [sflag:$0x1], $0x1, s15, s13, $0xb8;
	[tilespmem:$0x980] =	vst v63  }
0x54: {  	_ =	swait.ge [sflag:s11], $0x80  }
0x55: {  	[sflag:s11] =	ssyncset.done $0x0  }
0x56: {  	[sflag:s11] =	ssyncadd.s32 $0xFFFFFF80  }
0x57: {  	[spmem:s2] =	stream.indirect.scatter.add.f32 [tilespmem:s10], [sflag:$0x1], $0x1, s16, s13, $0xb8;
	[tilespmem:$0x980] =	vst v63  }
0x58: {  	_ =	swait.ge [sflag:s11], $0x80  }
0x59: {  	[sflag:s11] =	ssyncset.done $0x0  }
0x5a: {  	[sflag:s11] =	ssyncadd.s32 $0xFFFFFF80  }
0x5b: {  	[spmem:s2] =	stream.indirect.scatter.add.f32 [tilespmem:s10], [sflag:$0x1], $0x1, s17, s13, $0xb8;
	[tilespmem:$0x980] =	vst v63  }
0x5c: {  	_ =	swait.ge [sflag:s11], $0x80  }
0x5d: {  	[sflag:s11] =	ssyncset.done $0x0  }
0x5e: {  	[sflag:s11] =	ssyncadd.s32 $0xFFFFFF80  }
0x5f: {  	[spmem:s2] =	stream.indirect.scatter.add.f32 [tilespmem:s10], [sflag:$0x1], $0x1, s18, s13, $0xb8;
	[tilespmem:$0x980] =	vst v63  }
0x60: {  	_ =	swait.ge [sflag:s11], $0x80  }
.Ltmp0:
0x61: {  	[sflag:s11] =	ssyncset.done $0x0;
	(pc) =	sbr.rel @p0 .LBB2_2-.Ltmp0, $4  }
0x62: {  	[sflag:s11] =	ssyncadd.s32 $0xFFFFFF80  }
0x63: {  	[spmem:s2] =	stream.indirect.scatter.add.f32 [tilespmem:s10], [sflag:$0x1], $0x1, s19, s13, $0xb8;
	[tilespmem:$0x980] =	vst v63  }
0x64: {  	_ =	swait.ge [sflag:s11], $0x80  }
0x65: {  	s23 =	smov.u32 s22;
	[sflag:s11] =	ssyncset.done $0x0  }
0x66: {  	s21 =	sadd.s32 s21, s9;
	[sflag:s11] =	ssyncadd.s32 $0xFFFFFF80  }
0x67: {  	[tilespmem:s3], [sflag:$0x1] =	stream.linear.gather [hbm4b:s21+s3], $0x400, $0x38;
	[tilespmem:$0x980] =	vst v63  }
0x68: {  	_ =	swait.ge [sflag:s11], $0x400  }
0x69: {  	[sflag:s11] =	ssyncset.done $0x0  }
0x6a: {  	[sflag:s11] =	ssyncadd.s32 $0xFFFFFC00  }
0x6b: {  	[spmem:s2] =	stream.indirect.scatter.add.f32 [tilespmem:s10], [sflag:$0x1], $0x1, s3, s13, $0xb8;
	[tilespmem:$0x980] =	vst v63  }
0x6c: {  	_ =	swait.ge [sflag:s11], $0x80  }
0x6d: {  	[sflag:s11] =	ssyncset.done $0x0  }
0x6e: {  	[sflag:s11] =	ssyncadd.s32 $0xFFFFFF80  }
0x6f: {  	[spmem:s2] =	stream.indirect.scatter.add.f32 [tilespmem:s10], [sflag:$0x1], $0x1, s13, s13, $0xb8;
	[tilespmem:$0x980] =	vst v63  }
0x70: {  	_ =	swait.ge [sflag:s11], $0x80  }
0x71: {  	[sflag:s11] =	ssyncset.done $0x0  }
0x72: {  	[sflag:s11] =	ssyncadd.s32 $0xFFFFFF80  }
0x73: {  	[spmem:s2] =	stream.indirect.scatter.add.f32 [tilespmem:s10], [sflag:$0x1], $0x1, s14, s13, $0xb8;
	[tilespmem:$0x980] =	vst v63  }
0x74: {  	_ =	swait.ge [sflag:s11], $0x80  }
0x75: {  	[sflag:s11] =	ssyncset.done $0x0  }
0x76: {  	[sflag:s11] =	ssyncadd.s32 $0xFFFFFF80  }
0x77: {  	[spmem:s2] =	stream.indirect.scatter.add.f32 [tilespmem:s10], [sflag:$0x1], $0x1, s15, s13, $0xb8;
	[tilespmem:$0x980] =	vst v63  }
0x78: {  	_ =	swait.ge [sflag:s11], $0x80  }
0x79: {  	[sflag:s11] =	ssyncset.done $0x0  }
0x7a: {  	[sflag:s11] =	ssyncadd.s32 $0xFFFFFF80  }
0x7b: {  	[spmem:s2] =	stream.indirect.scatter.add.f32 [tilespmem:s10], [sflag:$0x1], $0x1, s16, s13, $0xb8;
	[tilespmem:$0x980] =	vst v63  }
0x7c: {  	_ =	swait.ge [sflag:s11], $0x80  }
0x7d: {  	[sflag:s11] =	ssyncset.done $0x0  }
0x7e: {  	[sflag:s11] =	ssyncadd.s32 $0xFFFFFF80  }
0x7f: {  	[spmem:s2] =	stream.indirect.scatter.add.f32 [tilespmem:s10], [sflag:$0x1], $0x1, s17, s13, $0xb8;
	[tilespmem:$0x980] =	vst v63  }
0x80: {  	_ =	swait.ge [sflag:s11], $0x80  }
0x81: {  	[sflag:s11] =	ssyncset.done $0x0  }
0x82: {  	[sflag:s11] =	ssyncadd.s32 $0xFFFFFF80  }
0x83: {  	[spmem:s2] =	stream.indirect.scatter.add.f32 [tilespmem:s10], [sflag:$0x1], $0x1, s18, s13, $0xb8;
	[tilespmem:$0x980] =	vst v63  }
0x84: {  	_ =	swait.ge [sflag:s11], $0x80  }
0x85: {  	[sflag:s11] =	ssyncset.done $0x0  }
0x86: {  	[sflag:s11] =	ssyncadd.s32 $0xFFFFFF80  }
0x87: {  	[spmem:s2] =	stream.indirect.scatter.add.f32 [tilespmem:s10], [sflag:$0x1], $0x1, s19, s13, $0xb8;
	[tilespmem:$0x980] =	vst v63  }
0x88: {  	_ =	swait.ge [sflag:s11], $0x80  }
0x89: {  	[sflag:s11] =	ssyncset.done $0x0  }
0x8a: {  	[sflag:s11] =	ssyncadd.s32 $0xFFFFFF80  }
0x8b: {  	[bflag:$0x0] =	sbarrier.arrive $0xFFFF  }
0x8c: {  	[tilespmem:s12], [sflag:$0x1] =	stream.linear.gather [spmem:s6], $0x280, $0x38;
	[tilespmem:$0x980] =	vst v63  }
0x8d: {  	s20 =	sadd.s32 $0x1, s20;
	_ =	swait.ge [sflag:s11], $0x280  }
0x8e: {  	p0 =	sne.s32 s20, s8;
	[sflag:s11] =	ssyncset.done $0x0  }
.Ltmp1:
0x8f: {  	[sflag:s11] =	ssyncadd.s32 $0xFFFFFD80;
	(pc) =	sbr.rel @p0 .LBB2_1-.Ltmp1, $4  }
0x90: {  	[hbm4b:s7+s3] =	stream.linear.scatter [tilespmem:s12], [sflag:$0x1], $0x280, $0x38;
	[tilespmem:$0x980] =	vst v63  }
0x91: {  	_ =	swait.ge [sflag:s11], $0x280  }
0x92: {  	[sflag:s11] =	ssyncset.done $0x0  }
0x93: {  	[sflag:s11] =	ssyncadd.s32 $0xFFFFFD80  }
0x94: {  	_ =	sfence.sel $0x180000  }
0x95: {  	[bflag:$0x0] =	sbarrier.arrive $0xFFFF  }
0x96: {  	p0 =	sne.s32 s0, $0x0;
	_ =	strace $0x90000047  }
0x97: {  	s0 =	sadd.s32 @!p0 $0x100000, s1;
	[bflag:$0x2] =	sbarrier.arrive $0xFFFF  }
0x98: {  	[sflag:s0] =	ssyncadd.tile.s32 @!p0 $0x1;
	_ =	shalt  }
.Lfunc_end2:
_tile_overlayer_lowered:
.L_overlay_start_2:
0x99: {  	(tag) =	ssettag $0x2  }
0x9a: {  	s0 =	rddreg [dreg:$0x0];
	s2 =	stileid.u32  }
0x9b: {  	s1 =	rddreg [dreg:$0x1];
	p0 =	sne.s32 s2, $0x0  }
0x9c: {  	s3 =	rddreg [dreg:$0x2];
	[bflag:$0x3] =	sbarrier.arrive $0xFFFF;
	s2 =	simm.s32 @!p0 $0x1C01  }
0x9d: {  	[timem:s3], [sflag:s2] =	dma.local @!p0 [hbm:s0], s1  }
0x9e: {  	s0 =	simm.s32 @!p0 $0x1  }
0x9f: {  	_ =	swait.ge @!p0 [sflag:s0], s1  }
0xa0: {  	s1 =	ssub.s32 @!p0 $0x0, s1;
	[sflag:s0] =	ssyncset.done @!p0 $0x0  }
0xa1: {  	[sflag:s0] =	ssyncadd.s32 @!p0 s1  }
0xa2: {  	[bflag:$0x3] =	sbarrier.arrive $0xFFFF  }
0xa3: {  	_ =	shalt  }

// kernel: kernel.9.cloned.1.call-start
scs
__scs_entry_jumppad:
0x0: {  	(pc) =	sbr.rel $0x88, $3  }
0x1: {  	(tag) =	ssettag $0x0;
	lr =	simm.s32 $0x1  }
0x2: {  	[smem:$0x3F9B] =	sst lr;
	_ =	strace $0xD0000000  }
0x3: {  	_ = 	snop  }
0x4: {  	_ = 	snop  }
0x5: {  	_ = 	snop  }
0x6: {  	_ = 	snop  }
0x7: {  	_ = 	snop  }
__scs_overlays_trampoline_lowered:
0x8: {  	[smem:$0x3FAA] =	sst s0  }
0x9: {  	[smem:$0x3FAB] =	sst s1  }
0xa: {  	[smem:$0x3FAC] =	sst s2  }
0xb: {  	[smem:$0x3FAD] =	sst s3  }
0xc: {  	[smem:$0x3FAE] =	sst s4  }
0xd: {  	[smem:$0x3FAF] =	sst s5  }
0xe: {  	[smem:$0x3FB0] =	sst s6  }
0xf: {  	[smem:$0x3FB1] =	sst s7  }
0x10: {  	[smem:$0x3FB2] =	sst s8  }
0x11: {  	[smem:$0x3FB3] =	sst s9;
	s0 =	simm.s32 @!p0 $0x0  }
0x12: {  	s1 =	sld [smem:$0x3F99];
	s0 =	simm.s32 @p0 $0x1  }
0x13: {  	[smem:$0x3FB4] =	sst s0;
	s0 =	simm.s32 @!p1 $0x0  }
0x14: {  	s2 =	sld [smem:$0x3F98];
	s0 =	simm.s32 @p1 $0x1  }
0x15: {  	[smem:$0x3FB5] =	sst s0;
	s0 =	simm.s32 @!p2 $0x0  }
0x16: {  	s3 =	sld [smem:$0x3FDB];
	s0 =	simm.s32 @p2 $0x1  }
0x17: {  	s4 =	simm.s32 $0x1BF5;
	[smem:$0x3FB7] =	sst s0  }
0x18: {  	s0 =	sld [smem:$0x3F9A];
	_ =	swait.ge [sflag:s4], $0x0  }
0x19: {  	s7 =	sld [smem:$0x3F9B]  }
0x1a: {  	s8 =	sadd.s32 $0xFFFFE003, lr  }
0x1b: {  	s9 =	sadd.s32 $0xFFFFFEF7, lr;
	s5 =	simm.s32 $0xFFFFFFFF;
	p2 =	slt.u32 s8, $0xFFFFF086  }
0x1c: {  	p1 =	slt.u32 s9, $0xF7A;
	s5 =	simm.s32 @!p2 $0x0  }
0x1d: {  	s5 =	simm.s32 @p1 $0x1;
	p0 =	seq.s32 s7, s2  }
0x1e: {  	s7 =	smul.u32 @!p0 $0xF7A, s2;
	p2 =	seq.s32 @!p0 s5, $0x0  }
0x1f: {  	s9 =	smul.u32 $0xF7A, s1;
	s8 =	simm.s32 @!p0 $0x1BF5;
	p2 =	por !p2, p0  }
0x20: {  	[sflag:s8] =	ssyncset.s32 @!p0 $0xFFFFF086;
	s6 =	sadd.s32 @!p0 s3, s7;
	s7 =	simm.s32 @!p0 $0x108  }
0x21: {  	s3 =	sadd.s32 s3, s9;
	s6 =	sadd.s32 @!p0 $0x88, s6;
	s7 =	simm.s32 @p2 $0x1082  }
0x22: {  	[simem:s7], [sflag:s8] =	dma.local @!p0 [hbm:s6], $0xF7A  }
0x23: {  	s9 =	sor.u32 $0xD0000000, s2;
	s6 =	simm.s32 $0x108;
	_ =	swait.ge @!p0 [sflag:s8], $0x0  }
0x24: {  	s3 =	sadd.s32 $0x88, s3;
	s6 =	simm.s32 @!p1 $0x1082;
	[sflag:s4] =	ssyncset.s32 $0xFFFFF086  }
0x25: {  	[simem:s6], [sflag:s4] =	dma.local [hbm:s3], $0xF7A  }
0x26: {  	[smem:$0x3F9B] =	sst s1;
	(tag) =	ssettag s2;
	_ =	strace s9  }
0x27: {  	s1 =	sld [smem:$0x3FAB]  }
0x28: {  	s2 =	sld [smem:$0x3FAC]  }
0x29: {  	s4 =	sld [smem:$0x3FAE]  }
0x2a: {  	p0 =	seq.s32 s5, $0x0;
	s5 =	sld [smem:$0x3FAF]  }
0x2b: {  	s6 =	sld [smem:$0x3FB0]  }
0x2c: {  	s7 =	sld [smem:$0x3FB1]  }
0x2d: {  	s3 =	simm.s32 $0x108;
	s8 =	sld [smem:$0x3FB2]  }
0x2e: {  	s3 =	simm.s32 @!p0 $0x1082;
	s9 =	sld [smem:$0x3FB3]  }
0x2f: {  	lr =	sadd.s32 s0, s3;
	s0 =	sld [smem:$0x3FAA]  }
0x30: {  	s3 =	sld [smem:$0x3FAD]  }
0x31: {  	[smem:$0x3FB6] =	sst s10  }
0x32: {  	s10 =	sld [smem:$0x3FB4];
	_ =	sdelay $0x3  }
0x33: {  	p0 =	seq.s32 s10, $0x1;
	s10 =	sld [smem:$0x3FB6];
	_ =	sdelay $0x3  }
0x34: {  	[smem:$0x3FB6] =	sst s10  }
0x35: {  	s10 =	sld [smem:$0x3FB5];
	_ =	sdelay $0x3  }
0x36: {  	p1 =	seq.s32 s10, $0x1;
	s10 =	sld [smem:$0x3FB6];
	_ =	sdelay $0x3  }
0x37: {  	[smem:$0x3FB6] =	sst s10  }
0x38: {  	s10 =	sld [smem:$0x3FB7]  }
0x39: {  	_ = 	snop;
	(pc) =	sbr.ind lr, $3  }
0x3a: {  	_ = 	snop  }
0x3b: {  	_ = 	snop  }
0x3c: {  	p2 =	seq.s32 s10, $0x1;
	s10 =	sld [smem:$0x3FB6]  }
0x3d: {  	_ =	shalt  }
0x3e: {  	_ =	shalt  }
0x3f: {  	_ =	shalt  }
0x40: {  	_ =	shalt  }
0x41: {  	_ =	shalt  }
0x42: {  	_ =	shalt  }
0x43: {  	_ =	shalt  }
0x44: {  	_ =	shalt  }
0x45: {  	_ =	shalt  }
0x46: {  	_ =	shalt  }
0x47: {  	_ =	shalt  }
0x48: {  	_ =	shalt  }
0x49: {  	_ =	shalt  }
0x4a: {  	_ =	shalt  }
0x4b: {  	_ =	shalt  }
0x4c: {  	_ =	shalt  }
0x4d: {  	_ =	shalt  }
0x4e: {  	_ =	shalt  }
0x4f: {  	_ =	shalt  }
0x50: {  	_ =	shalt  }
0x51: {  	_ =	shalt  }
0x52: {  	_ =	shalt  }
0x53: {  	_ =	shalt  }
0x54: {  	_ =	shalt  }
0x55: {  	_ =	shalt  }
0x56: {  	_ =	shalt  }
0x57: {  	_ =	shalt  }
0x58: {  	_ =	shalt  }
0x59: {  	_ =	shalt  }
0x5a: {  	_ =	shalt  }
0x5b: {  	_ =	shalt  }
0x5c: {  	_ =	shalt  }
0x5d: {  	_ =	shalt  }
0x5e: {  	_ =	shalt  }
0x5f: {  	_ =	shalt  }
0x60: {  	_ =	shalt  }
0x61: {  	_ =	shalt  }
0x62: {  	_ =	shalt  }
0x63: {  	_ =	shalt  }
0x64: {  	_ =	shalt  }
0x65: {  	_ =	shalt  }
0x66: {  	_ =	shalt  }
0x67: {  	_ =	shalt  }
0x68: {  	_ =	shalt  }
0x69: {  	_ =	shalt  }
0x6a: {  	_ =	shalt  }
0x6b: {  	_ =	shalt  }
0x6c: {  	_ =	shalt  }
0x6d: {  	_ =	shalt  }
0x6e: {  	_ =	shalt  }
0x6f: {  	_ =	shalt  }
0x70: {  	_ =	shalt  }
0x71: {  	_ =	shalt  }
0x72: {  	_ =	shalt  }
0x73: {  	_ =	shalt  }
0x74: {  	_ =	shalt  }
0x75: {  	_ =	shalt  }
0x76: {  	_ =	shalt  }
0x77: {  	_ =	shalt  }
0x78: {  	_ =	shalt  }
0x79: {  	_ =	shalt  }
0x7a: {  	_ =	shalt  }
0x7b: {  	_ =	shalt  }
0x7c: {  	_ =	shalt  }
0x7d: {  	_ =	shalt  }
0x7e: {  	_ =	shalt  }
0x7f: {  	_ =	shalt  }
0x80: {  	_ =	shalt  }
0x81: {  	_ =	shalt  }
0x82: {  	_ =	shalt  }
0x83: {  	_ =	shalt  }
0x84: {  	_ =	shalt  }
0x85: {  	_ =	shalt  }
0x86: {  	_ =	shalt  }
0x87: {  	_ =	shalt  }
.Lfunc_end0:
.L_simem_size_0:
called_computation.1_lowered:
.L_overlay_start_0:
0x88: {  	s2 =	sld [smem:$0x3FD9]  }
0x89: {  	s3 =	sld [smem:$0x3FFE];
	_ =	sdelay $0x1  }
0x8a: {  	s1 =	srdreg.scid  }
0x8b: {  	s0 =	sand.u32 $0x1, s1  }
0x8c: {  	s16 =	sshll.u32 s0, $0xA;
	s2 =	sadd.s32 s3, s2  }
0x8d: {  	s2 =	sadd.s32 s2, s16  }
0x8e: {  	[smem:$0x3FC2] =	sst s2  }
0x8f: {  	_ = 	snop  }
0x90: {  	(tm) =	ssettm $0x1  }
0x91: {  	s17 =	sld [smem:$0x3FFB];
	_ =	sdelay $0x3  }
0x92: {  	_ =	strace s17  }
0x93: {  	s2 =	sld [smem:$0x3FFC];
	_ =	sdelay $0x3  }
0x94: {  	_ =	strace s2  }
0x95: {  	s2 =	sld [smem:$0x3FFD];
	_ =	sdelay $0x3  }
0x96: {  	_ =	strace s2  }
0x97: {  	_ =	strace $0x8FFFFFFF  }
0x98: {  	s18 =	sld [smem:$0x3FDB];
	_ =	sdelay $0x1  }
0x99: {  	s19 =	simm.s32 $_scs_section_size  }
0x9a: {  	s4 =	simm.s32 $_size__tile_overlayer_lowered;
	s5 =	simm.s32 $_tile_overlayer_lowered  }
0x9b: {  	s22 =	simm.s32 $0x1BFF;
	s21 =	sshll.u32 s5, $0x1;
	s2 =	sadd.s32 s19, s18  }
0x9c: {  	s6 =	simm.s32 $0x0;
	s20 =	sshll.u32 s4, $0x1;
	s4 =	sadd.s32 s21, s2  }
0x9d: {  	[timem:s6], [sflag:s22] =	dma.local [hbm:s4], s20  }
0x9e: {  	_ =	swait.ge [sflag:s22], s20  }
0x9f: {  	s3 =	ssub.s32 $0x0, s20;
	[sflag:s22] =	ssyncset.done $0x0  }
0xa0: {  	[sflag:s22] =	ssyncadd.s32 s3;
	_ =	sdelay $0x1  }
0xa1: {  	s23 =	simm.s32 $0x1B8B  }
0xa2: {  	_ =	swait.ge [sflag:s23], $0x1  }
0xa3: {  	[sflag:s23] =	ssyncset.done $0x0  }
0xa4: {  	s25 =	simm.s32 $0x1B8E;
	s24 =	sld [smem:$0x3FFE];
	[sflag:s23] =	ssyncadd.s32 $0xFFFFFFFF  }
0xa5: {  	s26 =	simm.s32 $execute0_lowered;
	[smem:$0x3FD2] =	sst s25  }
0xa6: {  	s4 =	sshll.u32 s26, $0x1;
	_ =	strace $0x80000049;
	[dreg:$0x1] =	wrdreg $0xFFFFFFFF  }
0xa7: {  	s28 =	simm.s32 $_size_execute0_lowered;
	s2 =	sadd.s32 s2, s4;
	[dreg:$0x0] =	wrdreg $0x0  }
0xa8: {  	s4 =	sshll.u32 s28, $0x1;
	[dreg:$0x2] =	wrdreg s2  }
0xa9: {  	[dreg:$0x3] =	wrdreg s4  }
0xaa: {  	[dreg:$0x4] =	wrdreg $0xC0  }
0xab: {  	_ =	task [dreg:s6], $0x5FFFF  }
0xac: {  	[dreg:$0x1] =	wrdreg $0xFFFFFFFF  }
0xad: {  	[dreg:$0x0] =	wrdreg $0x60  }
0xae: {  	[dreg:$0x2] =	wrdreg s24  }
0xaf: {  	[dreg:$0x3] =	wrdreg $0x128000  }
0xb0: {  	[dreg:$0x4] =	wrdreg $0xD8000  }
0xb1: {  	[dreg:$0x5] =	wrdreg $0x9  }
0xb2: {  	_ =	task.clear_ibuf [dreg:s6], $0x6FFFF;
	_ =	strace $0x90000049  }
0xb3: {  	s29 =	simm.s32 $0x9;
	_ =	strace $0x8000004B  }
0xb4: {  	_ =	swait.ge [sflag:s29], $0x1  }
0xb5: {  	[sflag:s29] =	ssyncadd.s32 $0xFFFFFFFF  }
0xb6: {  	_ =	strace $0x9000004B  }
0xb7: {  	_ =	sfence  }
0xb8: {  	s30 =	sld [smem:$0x0];
	_ =	sdelay $0x2  }
0xb9: {  	s31 =	sshll.u32 s1, $0xD;
	s1 =	sshrl.u32 s1, $0x2  }
0xba: {  	s3 =	sand.u32 $0x4000, s31;
	s1 =	sadd.s32 s1, s30  }
0xbb: {  	s0 =	sor.u32 s3, s0;
	s1 =	sshll.u32 s1, $0x11  }
0xbc: {  	s0 =	sor.u32 s1, s0  }
0xbd: {  	s0 =	sadd.s32 $0x8F2B, s0  }
0xbe: {  	[sflag:s0] =	ssyncadd.remote.s32 $0x1  }
0xbf: {  	_ =	sfence.sel $0xFFFF  }
0xc0: {  	[dreg:$0x0] =	wrdreg $0xFFFFFFFF;
	(pc) =	sbr.abs _section_cstart, $3  }
0xc1: {  	[dreg:$0x1] =	wrdreg $0xFFFFFFFF  }
0xc2: {  	_ =	task.clear_ibuf [dreg:s6], $0x2FFFF;
	_ =	strace $0x9FFFFFFF  }
0xc3: {  	(tm) =	ssettm $0x7FFFFFFF  }
tec
execute0_lowered:
.L_overlay_start_1:
0x0: {  	(tag) =	ssettag $0x1  }
0x1: {  	s0 =	rddreg [dreg:$0x0]  }
0x2: {  	s1 =	srdreg.scid;
	s2 =	rddreg [dreg:$0x1]  }
0x3: {  	s7 =	stileid.u32;
	s3 =	rddreg [dreg:$0x2];
	s4 =	simm.s32 $0x0  }
0x4: {  	s11 =	simm.s32 $0x8800;
	s12 =	simm.s32 $0x1;
	s13 =	simm.s32 $0x400  }
0x5: {  	s14 =	simm.s32 $0x80;
	s15 =	simm.s32 $0x800;
	s16 =	simm.s32 $0x1800  }
0x6: {  	s17 =	simm.s32 $0x480;
	s18 =	simm.s32 $0x100;
	s19 =	simm.s32 $0x2800  }
0x7: {  	s20 =	simm.s32 $0x500;
	s28 =	simm.s32 $0x280;
	s6 =	smul.u32 $0x2800, s7  }
0x8: {  	s29 =	simm.s32 $0x5800;
	s1 =	sand.u32 $0x1, s1;
	s7 =	smul.u32 $0x5000, s7  }
0x9: {  	s30 =	simm.s32 $0x680;
	s31 =	simm.s32 $0x300;
	s5 =	smul.u32 $0x28000, s1  }
0xa: {  	[smem:$0x7FF] =	sst s4;
	s21 =	smul.u32 $0x50000, s1;
	s1 =	ssub.s32 $0x2, s1  }
0xb: {  	_ =	strace $0x8000004A;
	s8 =	sshrl.u32 s7, $0x3;
	s9 =	sshrl.u32 s1, $0x1  }
0xc: {  	s10 =	sadd.s32 s7, s2;
	s24 =	sadd.s32 s7, s3;
	s5 =	sadd.s32 s6, s5  }
0xd: {  	s6 =	sadd.s32 s7, s21;
	s8 =	sadd.s32 s8, s0;
	s1 =	ssub.s32 s1, s9  }
0xe: {  	[dreg:$0x9] =	wrdreg s24;
	s21 =	simm.s32 $0x180;
	s24 =	simm.s32 $0x200  }
0xf: {  	s7 =	simm.s32 $0x7800;
	s9 =	simm.s32 $0x0;
	[dreg:$0x7] =	wrdreg s10  }
0x10: {  	s5 =	sshrl.u32 s5, $0x3;
	s6 =	sshrl.u32 s6, $0x3;
	s22 =	sadd.s32 $0x1F600, s8  }
0x11: {  	s23 =	sadd.s32 $0x15600, s8;
	s1 =	smax.u32 s1, $0x1;
	[dreg:$0x6] =	wrdreg s22  }
0x12: {  	s5 =	sadd.s32 s5, s0;
	s0 =	sadd.s32 s6, s0;
	[dreg:$0x8] =	wrdreg s23  }
0x13: {  	s8 =	simm.s32 $0x780;
	[dreg:$0xb] =	wrdreg s1;
	s0 =	sadd.s32 $0x29600, s0  }
0x14: {  	s22 =	simm.s32 $0x3800;
	s25 =	sadd.s32 $0x1600, s5;
	[dreg:$0xa] =	wrdreg s0  }
0x15: {  	s23 =	simm.s32 $0x580;
	s26 =	sadd.s32 $0xB600, s5;
	[dreg:$0x4] =	wrdreg s25  }
0x16: {  	s1 =	simm.s32 $0x6800;
	s5 =	simm.s32 $0x380;
	[dreg:$0x5] =	wrdreg s26  }
0x17: {  	s25 =	simm.s32 $0x4800;
	s26 =	simm.s32 $0x600;
	s0 =	simm.s32 $0x700  }
.LBB2_1:
0x18: {  	s6 =	rddreg [dreg:$0x6]  }
0x19: {  	[tilespmem:s11], [sflag:$0x1] =	stream.linear.gather [hbm4b:s6+s4], $0x5000, $0x38;
	[tilespmem:$0x17800] =	vst v63  }
0x1a: {  	_ =	swait.ge [sflag:s12], $0x5000  }
0x1b: {  	[sflag:s12] =	ssyncset.done $0x0  }
0x1c: {  	[sflag:s12] =	ssyncadd.s32 $0xFFFFB000  }
0x1d: {  	[spmem:s10] =	stream.linear.scatter [tilespmem:s11], [sflag:$0x1], $0x5000, $0x38;
	[tilespmem:$0x17800] =	vst v63  }
0x1e: {  	_ =	swait.ge [sflag:s12], $0x5000  }
0x1f: {  	[sflag:s12] =	ssyncset.done $0x0  }
0x20: {  	s10 =	rddreg [dreg:$0x8];
	[sflag:s12] =	ssyncadd.s32 $0xFFFFB000  }
0x21: {  	[tilespmem:s11], [sflag:$0x1] =	stream.linear.gather [hbm4b:s10+s4], $0x5000, $0x38;
	[tilespmem:$0x17800] =	vst v63  }
0x22: {  	_ =	swait.ge [sflag:s12], $0x5000  }
0x23: {  	[sflag:s12] =	ssyncset.done $0x0  }
0x24: {  	s10 =	rddreg [dreg:$0x9];
	[sflag:s12] =	ssyncadd.s32 $0xFFFFB000  }
0x25: {  	[spmem:s10] =	stream.linear.scatter [tilespmem:s11], [sflag:$0x1], $0x5000, $0x38;
	[tilespmem:$0x17800] =	vst v63  }
0x26: {  	_ =	swait.ge [sflag:s12], $0x5000  }
0x27: {  	[sflag:s12] =	ssyncset.done $0x0  }
0x28: {  	[sflag:s12] =	ssyncadd.s32 $0xFFFFB000  }
0x29: {  	[bflag:$0x0] =	sbarrier.arrive $0xFFFF  }
0x2a: {  	s6 =	rddreg [dreg:$0x5]  }
0x2b: {  	s10 =	sadd.s32 $0x0, s6  }
0x2c: {  	[tilespmem:s4], [sflag:$0x1] =	stream.linear.gather [hbm4b:s10+s4], $0x400, $0x38;
	[tilespmem:$0x17800] =	vst v63  }
0x2d: {  	_ =	swait.ge [sflag:s12], $0x400  }
0x2e: {  	s11 =	rddreg [dreg:$0x4];
	[sflag:s12] =	ssyncset.done $0x0  }
0x2f: {  	[sflag:s12] =	ssyncadd.s32 $0xFFFFFC00;
	s10 =	sadd.s32 $0x0, s11  }
0x30: {  	[tilespmem:s13], [sflag:$0x1] =	stream.linear.gather [hbm4b:s10+s4], $0x400, $0x38;
	[tilespmem:$0x17800] =	vst v63  }
0x31: {  	_ =	swait.ge [sflag:s12], $0x400  }
0x32: {  	[sflag:s12] =	ssyncset.done $0x0  }
0x33: {  	[sflag:s12] =	ssyncadd.s32 $0xFFFFFC00  }
0x34: {  	[tilespmem:s15], [sflag:$0x1] =	stream.indirect.gather [spmem:s3], $0x20, s4, s14, $0xb8;
	[tilespmem:$0x17800] =	vst v63  }
0x35: {  	_ =	swait.ge [sflag:s12], $0x1000  }
0x36: {  	[sflag:s12] =	ssyncset.done $0x0  }
0x37: {  	[sflag:s12] =	ssyncadd.s32 $0xFFFFF000  }
0x38: {  	[spmem:s2] =	stream.indirect.scatter.add.f32 [tilespmem:s15], [sflag:$0x1], $0x20, s13, s14, $0xb8;
	[tilespmem:$0x17800] =	vst v63  }
0x39: {  	_ =	swait.ge [sflag:s12], $0x1000  }
0x3a: {  	[sflag:s12] =	ssyncset.done $0x0  }
0x3b: {  	[sflag:s12] =	ssyncadd.s32 $0xFFFFF000  }
0x3c: {  	[tilespmem:s16], [sflag:$0x1] =	stream.indirect.gather [spmem:s3], $0x20, s14, s14, $0xb8;
	[tilespmem:$0x17800] =	vst v63  }
0x3d: {  	_ =	swait.ge [sflag:s12], $0x1000  }
0x3e: {  	[sflag:s12] =	ssyncset.done $0x0  }
0x3f: {  	[sflag:s12] =	ssyncadd.s32 $0xFFFFF000  }
0x40: {  	[spmem:s2] =	stream.indirect.scatter.add.f32 [tilespmem:s16], [sflag:$0x1], $0x20, s17, s14, $0xb8;
	[tilespmem:$0x17800] =	vst v63  }
0x41: {  	_ =	swait.ge [sflag:s12], $0x1000  }
0x42: {  	[sflag:s12] =	ssyncset.done $0x0  }
0x43: {  	[sflag:s12] =	ssyncadd.s32 $0xFFFFF000  }
0x44: {  	[tilespmem:s19], [sflag:$0x1] =	stream.indirect.gather [spmem:s3], $0x20, s18, s14, $0xb8;
	[tilespmem:$0x17800] =	vst v63  }
0x45: {  	_ =	swait.ge [sflag:s12], $0x1000  }
0x46: {  	[sflag:s12] =	ssyncset.done $0x0  }
0x47: {  	[sflag:s12] =	ssyncadd.s32 $0xFFFFF000  }
0x48: {  	[spmem:s2] =	stream.indirect.scatter.add.f32 [tilespmem:s19], [sflag:$0x1], $0x20, s20, s14, $0xb8;
	[tilespmem:$0x17800] =	vst v63  }
0x49: {  	_ =	swait.ge [sflag:s12], $0x1000  }
0x4a: {  	[sflag:s12] =	ssyncset.done $0x0  }
0x4b: {  	[sflag:s12] =	ssyncadd.s32 $0xFFFFF000  }
0x4c: {  	[tilespmem:s22], [sflag:$0x1] =	stream.indirect.gather [spmem:s3], $0x20, s21, s14, $0xb8;
	[tilespmem:$0x17800] =	vst v63  }
0x4d: {  	_ =	swait.ge [sflag:s12], $0x1000  }
0x4e: {  	[sflag:s12] =	ssyncset.done $0x0  }
0x4f: {  	[sflag:s12] =	ssyncadd.s32 $0xFFFFF000  }
0x50: {  	[spmem:s2] =	stream.indirect.scatter.add.f32 [tilespmem:s22], [sflag:$0x1], $0x20, s23, s14, $0xb8;
	[tilespmem:$0x17800] =	vst v63  }
0x51: {  	_ =	swait.ge [sflag:s12], $0x1000  }
0x52: {  	[sflag:s12] =	ssyncset.done $0x0  }
0x53: {  	[sflag:s12] =	ssyncadd.s32 $0xFFFFF000  }
0x54: {  	[tilespmem:s25], [sflag:$0x1] =	stream.indirect.gather [spmem:s3], $0x20, s24, s14, $0xb8;
	[tilespmem:$0x17800] =	vst v63  }
0x55: {  	_ =	swait.ge [sflag:s12], $0x1000  }
0x56: {  	[sflag:s12] =	ssyncset.done $0x0  }
0x57: {  	[sflag:s12] =	ssyncadd.s32 $0xFFFFF000  }
0x58: {  	[spmem:s2] =	stream.indirect.scatter.add.f32 [tilespmem:s25], [sflag:$0x1], $0x20, s26, s14, $0xb8;
	[tilespmem:$0x17800] =	vst v63  }
0x59: {  	_ =	swait.ge [sflag:s12], $0x1000  }
0x5a: {  	[sflag:s12] =	ssyncset.done $0x0  }
0x5b: {  	[sflag:s12] =	ssyncadd.s32 $0xFFFFF000  }
0x5c: {  	[tilespmem:s29], [sflag:$0x1] =	stream.indirect.gather [spmem:s3], $0x20, s28, s14, $0xb8;
	[tilespmem:$0x17800] =	vst v63  }
0x5d: {  	_ =	swait.ge [sflag:s12], $0x1000  }
0x5e: {  	[sflag:s12] =	ssyncset.done $0x0  }
0x5f: {  	[sflag:s12] =	ssyncadd.s32 $0xFFFFF000  }
0x60: {  	[spmem:s2] =	stream.indirect.scatter.add.f32 [tilespmem:s29], [sflag:$0x1], $0x20, s30, s14, $0xb8;
	[tilespmem:$0x17800] =	vst v63  }
0x61: {  	_ =	swait.ge [sflag:s12], $0x1000  }
0x62: {  	[sflag:s12] =	ssyncset.done $0x0  }
0x63: {  	[sflag:s12] =	ssyncadd.s32 $0xFFFFF000  }
0x64: {  	[tilespmem:s1], [sflag:$0x1] =	stream.indirect.gather [spmem:s3], $0x20, s31, s14, $0xb8;
	[tilespmem:$0x17800] =	vst v63  }
0x65: {  	_ =	swait.ge [sflag:s12], $0x1000  }
0x66: {  	[sflag:s12] =	ssyncset.done $0x0  }
0x67: {  	[sflag:s12] =	ssyncadd.s32 $0xFFFFF000  }
0x68: {  	[spmem:s2] =	stream.indirect.scatter.add.f32 [tilespmem:s1], [sflag:$0x1], $0x20, s0, s14, $0xb8;
	[tilespmem:$0x17800] =	vst v63  }
0x69: {  	_ =	swait.ge [sflag:s12], $0x1000  }
0x6a: {  	[sflag:s12] =	ssyncset.done $0x0  }
0x6b: {  	[sflag:s12] =	ssyncadd.s32 $0xFFFFF000  }
0x6c: {  	[tilespmem:s7], [sflag:$0x1] =	stream.indirect.gather [spmem:s3], $0x20, s5, s14, $0xb8;
	[tilespmem:$0x17800] =	vst v63  }
0x6d: {  	_ =	swait.ge [sflag:s12], $0x1000  }
0x6e: {  	[sflag:s12] =	ssyncset.done $0x0  }
0x6f: {  	[sflag:s12] =	ssyncadd.s32 $0xFFFFF000  }
0x70: {  	[spmem:s2] =	stream.indirect.scatter.add.f32 [tilespmem:s7], [sflag:$0x1], $0x20, s8, s14, $0xb8;
	[tilespmem:$0x17800] =	vst v63  }
0x71: {  	s10 =	simm.s32 $0x80;
	_ =	swait.ge [sflag:s12], $0x1000  }
.LBB2_2:
0x72: {  	s6 =	rddreg [dreg:$0x5];
	s11 =	smov.u32 s10;
	[sflag:s12] =	ssyncset.done $0x0  }
0x73: {  	s6 =	sadd.s32 s11, s6;
	[sflag:s12] =	ssyncadd.s32 $0xFFFFF000  }
0x74: {  	[tilespmem:s4], [sflag:$0x1] =	stream.linear.gather [hbm4b:s6+s4], $0x400, $0x38;
	[tilespmem:$0x17800] =	vst v63  }
0x75: {  	_ =	swait.ge [sflag:s12], $0x400  }
0x76: {  	s6 =	rddreg [dreg:$0x4];
	[sflag:s12] =	ssyncset.done $0x0  }
0x77: {  	[sflag:s12] =	ssyncadd.s32 $0xFFFFFC00;
	s6 =	sadd.s32 s11, s6  }
0x78: {  	[tilespmem:s13], [sflag:$0x1] =	stream.linear.gather [hbm4b:s6+s4], $0x400, $0x38;
	[tilespmem:$0x17800] =	vst v63  }
0x79: {  	_ =	swait.ge [sflag:s12], $0x400  }
0x7a: {  	[sflag:s12] =	ssyncset.done $0x0  }
0x7b: {  	[sflag:s12] =	ssyncadd.s32 $0xFFFFFC00  }
0x7c: {  	[tilespmem:s15], [sflag:$0x1] =	stream.indirect.gather [spmem:s3], $0x20, s4, s14, $0xb8;
	[tilespmem:$0x17800] =	vst v63  }
0x7d: {  	_ =	swait.ge [sflag:s12], $0x1000  }
0x7e: {  	[sflag:s12] =	ssyncset.done $0x0  }
0x7f: {  	[sflag:s12] =	ssyncadd.s32 $0xFFFFF000  }
0x80: {  	[spmem:s2] =	stream.indirect.scatter.add.f32 [tilespmem:s15], [sflag:$0x1], $0x20, s13, s14, $0xb8;
	[tilespmem:$0x17800] =	vst v63  }
0x81: {  	_ =	swait.ge [sflag:s12], $0x1000  }
0x82: {  	[sflag:s12] =	ssyncset.done $0x0  }
0x83: {  	[sflag:s12] =	ssyncadd.s32 $0xFFFFF000  }
0x84: {  	[tilespmem:s16], [sflag:$0x1] =	stream.indirect.gather [spmem:s3], $0x20, s14, s14, $0xb8;
	[tilespmem:$0x17800] =	vst v63  }
0x85: {  	_ =	swait.ge [sflag:s12], $0x1000  }
0x86: {  	[sflag:s12] =	ssyncset.done $0x0  }
0x87: {  	[sflag:s12] =	ssyncadd.s32 $0xFFFFF000  }
0x88: {  	[spmem:s2] =	stream.indirect.scatter.add.f32 [tilespmem:s16], [sflag:$0x1], $0x20, s17, s14, $0xb8;
	[tilespmem:$0x17800] =	vst v63  }
0x89: {  	_ =	swait.ge [sflag:s12], $0x1000  }
0x8a: {  	[sflag:s12] =	ssyncset.done $0x0  }
0x8b: {  	[sflag:s12] =	ssyncadd.s32 $0xFFFFF000  }
0x8c: {  	[tilespmem:s19], [sflag:$0x1] =	stream.indirect.gather [spmem:s3], $0x20, s18, s14, $0xb8;
	[tilespmem:$0x17800] =	vst v63  }
0x8d: {  	_ =	swait.ge [sflag:s12], $0x1000  }
0x8e: {  	[sflag:s12] =	ssyncset.done $0x0  }
0x8f: {  	[sflag:s12] =	ssyncadd.s32 $0xFFFFF000  }
0x90: {  	[spmem:s2] =	stream.indirect.scatter.add.f32 [tilespmem:s19], [sflag:$0x1], $0x20, s20, s14, $0xb8;
	[tilespmem:$0x17800] =	vst v63  }
0x91: {  	_ =	swait.ge [sflag:s12], $0x1000  }
0x92: {  	[sflag:s12] =	ssyncset.done $0x0  }
0x93: {  	[sflag:s12] =	ssyncadd.s32 $0xFFFFF000  }
0x94: {  	[tilespmem:s22], [sflag:$0x1] =	stream.indirect.gather [spmem:s3], $0x20, s21, s14, $0xb8;
	[tilespmem:$0x17800] =	vst v63  }
0x95: {  	_ =	swait.ge [sflag:s12], $0x1000  }
0x96: {  	[sflag:s12] =	ssyncset.done $0x0  }
0x97: {  	[sflag:s12] =	ssyncadd.s32 $0xFFFFF000  }
0x98: {  	[spmem:s2] =	stream.indirect.scatter.add.f32 [tilespmem:s22], [sflag:$0x1], $0x20, s23, s14, $0xb8;
	[tilespmem:$0x17800] =	vst v63  }
0x99: {  	_ =	swait.ge [sflag:s12], $0x1000  }
0x9a: {  	[sflag:s12] =	ssyncset.done $0x0  }
0x9b: {  	[sflag:s12] =	ssyncadd.s32 $0xFFFFF000  }
0x9c: {  	[tilespmem:s25], [sflag:$0x1] =	stream.indirect.gather [spmem:s3], $0x20, s24, s14, $0xb8;
	[tilespmem:$0x17800] =	vst v63  }
0x9d: {  	_ =	swait.ge [sflag:s12], $0x1000  }
0x9e: {  	[sflag:s12] =	ssyncset.done $0x0  }
0x9f: {  	[sflag:s12] =	ssyncadd.s32 $0xFFFFF000  }
0xa0: {  	[spmem:s2] =	stream.indirect.scatter.add.f32 [tilespmem:s25], [sflag:$0x1], $0x20, s26, s14, $0xb8;
	[tilespmem:$0x17800] =	vst v63  }
0xa1: {  	_ =	swait.ge [sflag:s12], $0x1000  }
0xa2: {  	[sflag:s12] =	ssyncset.done $0x0  }
0xa3: {  	[sflag:s12] =	ssyncadd.s32 $0xFFFFF000  }
0xa4: {  	[tilespmem:s29], [sflag:$0x1] =	stream.indirect.gather [spmem:s3], $0x20, s28, s14, $0xb8;
	[tilespmem:$0x17800] =	vst v63  }
0xa5: {  	_ =	swait.ge [sflag:s12], $0x1000  }
0xa6: {  	[sflag:s12] =	ssyncset.done $0x0  }
0xa7: {  	[sflag:s12] =	ssyncadd.s32 $0xFFFFF000  }
0xa8: {  	[spmem:s2] =	stream.indirect.scatter.add.f32 [tilespmem:s29], [sflag:$0x1], $0x20, s30, s14, $0xb8;
	[tilespmem:$0x17800] =	vst v63  }
0xa9: {  	_ =	swait.ge [sflag:s12], $0x1000  }
0xaa: {  	[sflag:s12] =	ssyncset.done $0x0  }
0xab: {  	[sflag:s12] =	ssyncadd.s32 $0xFFFFF000  }
0xac: {  	[tilespmem:s1], [sflag:$0x1] =	stream.indirect.gather [spmem:s3], $0x20, s31, s14, $0xb8;
	[tilespmem:$0x17800] =	vst v63  }
0xad: {  	_ =	swait.ge [sflag:s12], $0x1000  }
0xae: {  	[sflag:s12] =	ssyncset.done $0x0  }
0xaf: {  	[sflag:s12] =	ssyncadd.s32 $0xFFFFF000  }
0xb0: {  	[spmem:s2] =	stream.indirect.scatter.add.f32 [tilespmem:s1], [sflag:$0x1], $0x20, s0, s14, $0xb8;
	[tilespmem:$0x17800] =	vst v63  }
0xb1: {  	_ =	swait.ge [sflag:s12], $0x1000  }
0xb2: {  	[sflag:s12] =	ssyncset.done $0x0  }
0xb3: {  	p0 =	sne.s32 s10, $0x480;
	[sflag:s12] =	ssyncadd.s32 $0xFFFFF000  }
0xb4: {  	[tilespmem:s7], [sflag:$0x1] =	stream.indirect.gather [spmem:s3], $0x20, s5, s14, $0xb8;
	[tilespmem:$0x17800] =	vst v63  }
.Ltmp0:
0xb5: {  	_ =	swait.ge [sflag:s12], $0x1000;
	(pc) =	sbr.rel @p0 .LBB2_2-.Ltmp0, $4  }
0xb6: {  	[sflag:s12] =	ssyncset.done $0x0  }
0xb7: {  	[sflag:s12] =	ssyncadd.s32 $0xFFFFF000  }
0xb8: {  	[spmem:s2] =	stream.indirect.scatter.add.f32 [tilespmem:s7], [sflag:$0x1], $0x20, s8, s14, $0xb8;
	[tilespmem:$0x17800] =	vst v63  }
0xb9: {  	s10 =	sadd.s32 $0x80, s10;
	_ =	swait.ge [sflag:s12], $0x1000  }
0xba: {  	[sflag:s12] =	ssyncset.done $0x0  }
0xbb: {  	[sflag:s12] =	ssyncadd.s32 $0xFFFFF000  }
0xbc: {  	[bflag:$0x0] =	sbarrier.arrive $0xFFFF  }
0xbd: {  	s11 =	simm.s32 $0x8800;
	s10 =	rddreg [dreg:$0x7]  }
0xbe: {  	[tilespmem:s11], [sflag:$0x1] =	stream.linear.gather [spmem:s10], $0x5000, $0x38;
	[tilespmem:$0x17800] =	vst v63  }
0xbf: {  	_ =	swait.ge [sflag:s12], $0x5000  }
0xc0: {  	[sflag:s12] =	ssyncset.done $0x0  }
0xc1: {  	s6 =	rddreg [dreg:$0xa];
	[sflag:s12] =	ssyncadd.s32 $0xFFFFB000  }
0xc2: {  	[hbm4b:s6+s4] =	stream.linear.scatter [tilespmem:s11], [sflag:$0x1], $0x5000, $0x38;
	[tilespmem:$0x17800] =	vst v63  }
0xc3: {  	_ =	swait.ge [sflag:s12], $0x5000  }
0xc4: {  	s9 =	sadd.s32 $0x1, s9;
	s6 =	rddreg [dreg:$0xb]  }
0xc5: {  	p0 =	sne.s32 s9, s6  }
.Ltmp1:
0xc6: {  	_ = 	snop;
	(pc) =	sbr.rel @p0 .LBB2_1-.Ltmp1, $3  }
0xc7: {  	_ =	sdelay $0x1  }
0xc8: {  	[sflag:s12] =	ssyncset.done $0x0  }
0xc9: {  	[sflag:s12] =	ssyncadd.s32 $0xFFFFB000  }
0xca: {  	_ =	sfence.sel $0x180000  }
0xcb: {  	[bflag:$0x0] =	sbarrier.arrive $0xFFFF  }
0xcc: {  	_ =	strace $0x9000004A  }
0xcd: {  	s0 =	stileid.u32;
	[bflag:$0x2] =	sbarrier.arrive $0xFFFF  }
0xce: {  	p0 =	sne.s32 s0, $0x0;
	s0 =	rddreg [dreg:$0x3]  }
0xcf: {  	s0 =	sadd.s32 @!p0 $0x100000, s0  }
0xd0: {  	[sflag:s0] =	ssyncadd.tile.s32 @!p0 $0x1;
	_ =	shalt  }
.Lfunc_end2:
_tile_overlayer_lowered:
.L_overlay_start_2:
0xd1: {  	(tag) =	ssettag $0x2  }
0xd2: {  	s0 =	rddreg [dreg:$0x0];
	s2 =	stileid.u32  }
0xd3: {  	s1 =	rddreg [dreg:$0x1];
	p0 =	sne.s32 s2, $0x0  }
0xd4: {  	s3 =	rddreg [dreg:$0x2];
	[bflag:$0x3] =	sbarrier.arrive $0xFFFF;
	s2 =	simm.s32 @!p0 $0x1C01  }
0xd5: {  	[timem:s3], [sflag:s2] =	dma.local @!p0 [hbm:s0], s1  }
0xd6: {  	s0 =	simm.s32 @!p0 $0x1  }
0xd7: {  	_ =	swait.ge @!p0 [sflag:s0], s1  }
0xd8: {  	s1 =	ssub.s32 @!p0 $0x0, s1;
	[sflag:s0] =	ssyncset.done @!p0 $0x0  }
0xd9: {  	[sflag:s0] =	ssyncadd.s32 @!p0 s1  }
0xda: {  	[bflag:$0x3] =	sbarrier.arrive $0xFFFF  }
0xdb: {  	_ =	shalt  }

</sc_bundles>
